<compile_context>
chip_gen: v7x
topology: tpu7x:2x2x1
jax: 0.10.2.dev20260603
libtpu: 0.0.44.dev20260713+nightly
codegen_flags: <defaults>
</compile_context>

<pallas_src>
import functools

import jax
import jax.numpy as jnp
from jax import lax
from jax.experimental import pallas as pl
from jax.experimental.pallas import tpu as pltpu
from jax.experimental.pallas import tpu_sc as plsc

_L = 4096
_W = 2 * _L
_NW = 32
_CPW = _W // 16 // _NW
_ROWS = 128
_GRID = _L // _ROWS
_SL = _W // 128
_THRESH = (19, 22, 25, 28, 32, 37, 43, 49, 56, 64, 74, 85, 98, 112, 128)

_mesh = plsc.VectorSubcoreMesh(core_axis_name="c", subcore_axis_name="s")


def _take16(vec, idx):
    return lax.gather(
        vec,
        idx[:, None],
        lax.GatherDimensionNumbers(
            offset_dims=(), collapsed_slice_dims=(0,), start_index_map=(0,)
        ),
        slice_sizes=(1,),
        mode=lax.GatherScatterMode.PROMISE_IN_BOUNDS,
    )


@functools.partial(
    pl.kernel,
    mesh=_mesh,
    out_type=jax.ShapeDtypeStruct((_W,), jnp.float32),
    scratch_types=[
        pltpu.VMEM((32,), jnp.float32),
        pltpu.VMEM((16 * _CPW,), jnp.float32),
        pltpu.SemaphoreType.DMA,
    ],
)
def _sc_lookup(w_hbm, out_hbm, w_v, v_v, sem):
    pltpu.sync_copy(w_hbm, w_v)

    lanes = lax.iota(jnp.int32, 16)
    w0 = w_v[pl.ds(0, 16)]
    w1 = w_v[pl.ds(16, 16)]
    wid = lax.axis_index("s") * 2 + lax.axis_index("c")
    t0 = wid * (16 * _CPW)

    def compute_v(j, carry):
        t = lanes + t0 + j * 16
        rel = t - (_L - 1)
        dist = jnp.abs(rel)
        b = jnp.full((16,), 16, jnp.int32)
        for thr in _THRESH:
            b = b + jnp.where(dist >= thr, 1, 0)
        b = jnp.where(dist < 16, dist, b)
        b = b + jnp.where(rel < 0, 16, 0)
        b = jnp.minimum(b, 31)
        hi = b >= 16
        bl = jnp.where(hi, b - 16, b)
        v_v[pl.ds(j * 16, 16)] = jnp.where(
            hi, _take16(w1, bl), _take16(w0, bl)
        )
        return carry

    lax.fori_loop(0, _CPW, compute_v, 0)
    cp = pltpu.make_async_copy(v_v, out_hbm.at[pl.ds(t0, 16 * _CPW)], sem)
    cp.start()
    cp.wait()


def _shift_flat(x, n):
    rolled = jnp.roll(x, n, axis=-1)
    down = jnp.concatenate(
        [jnp.zeros_like(rolled[..., :1, :]), rolled[..., :-1, :]], axis=-2
    )
    lane = jax.lax.broadcasted_iota(jnp.int32, x.shape, x.ndim - 1)
    return jnp.where(lane >= n, rolled, down)


def _expand_kernel(v_ref, out_ref, v2_ref, sem_ref):
    v2_ref[0:1] = _shift_flat(v_ref[...], 1)[None]
    n = 1
    while n < _ROWS:
        v2_ref[n : 2 * n] = _shift_flat(v2_ref[0:n], n)
        n *= 2

    copies = []
    for g2 in range(2 * _GRID):
        copies.append(
            pltpu.make_async_copy(
                v2_ref.at[
                    pl.ds(64 * (g2 % 2), 64), pl.ds(_GRID - g2 // 2, _GRID), :
                ],
                out_ref.at[pl.ds(g2 * 64, 64), :, :],
                sem_ref,
            )
        )
    for cp in copies:
        cp.start()
    for cp in copies:
        cp.wait()


@jax.jit
def _bias(weight):
    v = _sc_lookup(weight.reshape(32)).reshape(_SL, 128)
    return pl.pallas_call(
        _expand_kernel,
        grid=(1,),
        in_specs=[pl.BlockSpec(memory_space=pltpu.MemorySpace.VMEM)],
        out_specs=pl.BlockSpec(memory_space=pltpu.MemorySpace.HBM),
        out_shape=jax.ShapeDtypeStruct((_L, _GRID, 128), jnp.float32),
        scratch_shapes=[
            pltpu.VMEM((_ROWS, _SL, 128), jnp.float32),
            pltpu.SemaphoreType.DMA,
        ],
    )(v)


def kernel(weight, L):
    del L
    return _bias(weight).reshape(_L, _L, 1)

# --- scband reference (transcript-rebuilt; emitter-appended) ---
"""Pipeline reference for scband-relative-position-bias-20667382628722 (READ-ONLY COPY).

The authoritative reference and input builder live on the scoring server;
editing this copy changes nothing except your own understanding.
"""

import jax, jax.numpy as jnp
import numpy as np
import math

NUM_BUCKETS = 32
MAX_DISTANCE = 128
SEQ_LEN = 4096


def setup_inputs(seed: int = 0) -> dict:
    key = jax.random.key(seed)
    weight = jax.random.normal(key, (NUM_BUCKETS, 1), dtype=jnp.float32)
    return {"weight": weight, "L": 4096}


def reference(weight, L):
    num_buckets = NUM_BUCKETS
    max_distance = MAX_DISTANCE
    L_shift = (jnp.asarray(L, dtype=jnp.int32) - SEQ_LEN)
    context_pos = (jnp.arange(SEQ_LEN, dtype=jnp.int32) + L_shift)[:, None]
    memory_pos = (jnp.arange(SEQ_LEN, dtype=jnp.int32) + L_shift)[None, :]
    rel = memory_pos - context_pos
    half_buckets = num_buckets // 2
    sign_offset = (rel < 0).astype(jnp.int32) * half_buckets
    dist = jnp.abs(rel)
    is_small = dist < half_buckets
    small_bucket = dist
    large = jnp.clip(dist.astype(jnp.float32), half_buckets, max_distance)
    log_range = math.log(max_distance / half_buckets + 1e-08)
    large_bucket = (jnp.log(large / half_buckets + 1e-08) / log_range * (half_buckets - 1)).astype(jnp.int32) + half_buckets
    bucket = jnp.where(is_small, small_bucket, large_bucket)
    relative_bucket = jnp.clip(bucket + sign_offset, 0, num_buckets - 1)
    values = jnp.take(weight, relative_bucket, axis=0)
    return values

if __name__ == "__main__":
    import jax
    _d = setup_inputs()
    print(jax.jit(kernel)(*tuple(_d.values())))

</pallas_src>

<mosaic_0001>
#map = affine_map<(d0, d1) -> (0)>
module attributes {stable_mosaic.version = 14 : i64} {
  func.func @_sc_lookup(%arg0: i32, %arg1: i32, %arg2: memref<32xf32, #tpu.memory_space<hbm>>, %arg3: memref<8192xf32, #tpu.memory_space<hbm>>, %arg4: memref<32xf32, #tpu.memory_space<vmem>>, %arg5: memref<256xf32, #tpu.memory_space<vmem>>, %arg6: memref<!tpu.dma_semaphore, #tpu.memory_space<semaphore_mem>>) attributes {dimension_semantics = [#tpu.dimension_semantics<core_parallel>, #tpu.dimension_semantics<subcore_parallel>], iteration_bounds = array<i64: 2, 16>, scalar_prefetch = 0 : i64, scratch_operands = 3 : i64, tpu.core_type = #tpu.core_type<sc_vector_subcore>, window_params = [{transform_indices = #map}, {transform_indices = #map}]} {
    "tpu.region"() ({
      %run_scoped3A = tpu.sem_alloc : memref<!tpu.dma_semaphore, #tpu.memory_space<semaphore_mem>>
      tpu.enqueue_dma source(%arg2 : memref<32xf32, #tpu.memory_space<hbm>>) target(%arg4 : memref<32xf32, #tpu.memory_space<vmem>>) target_semaphore(%run_scoped3A : memref<!tpu.dma_semaphore, #tpu.memory_space<semaphore_mem>>)
      tpu.wait_dma2 semaphore(%run_scoped3A : memref<!tpu.dma_semaphore, #tpu.memory_space<semaphore_mem>>) src(%arg2 : memref<32xf32, #tpu.memory_space<hbm>>) dst(%arg4 : memref<32xf32, #tpu.memory_space<vmem>>)
      tpu.yield
    }) : () -> ()
    %iota3A = tpu.iota {dimensions = array<i32: 0>} : vector<16xi32>
    %get3A = arith.constant 0 : index
    %get3A_0 = tpu.vector_load %arg4[%get3A] {strides = array<i32>} : memref<32xf32, #tpu.memory_space<vmem>>, vector<16xf32>,
    %get3A_1 = vector.shape_cast %get3A_0 : vector<16xf32> to vector<16xf32>
    %get3A_2 = arith.constant 16 : index
    %get3A_3 = tpu.vector_load %arg4[%get3A_2] {strides = array<i32>} : memref<32xf32, #tpu.memory_space<vmem>>, vector<16xf32>,
    %get3A_4 = vector.shape_cast %get3A_3 : vector<16xf32> to vector<16xf32>
    %mul3A = arith.constant 2 : i32
    %mul3A_5 = arith.muli %arg1, %mul3A : i32
    %add3A = arith.addi %mul3A_5, %arg0 : i32
    %mul3A_6 = arith.constant 256 : i32
    %mul3A_7 = arith.muli %add3A, %mul3A_6 : i32
    %scan3A = arith.constant 0 : i32
    %scan3A_8 = arith.constant 0 : i32
    %scan3A_9 = arith.constant 16 : i32
    %scan3A_10 = arith.addi %scan3A_8, %scan3A_9 : i32
    %scan3A_11 = arith.constant 1 : i32
    scf.for %scan3A_15 = %scan3A_8 to %scan3A_10 step %scan3A_11  : i32 {
      %add3A_16 = vector.broadcast %mul3A_7 : i32 to vector<16xi32>
      %add3A_17 = arith.addi %iota3A, %add3A_16 : vector<16xi32>
      %mul3A_18 = arith.constant 16 : i32
      %mul3A_19 = arith.muli %scan3A_15, %mul3A_18 : i32
      %add3A_20 = vector.broadcast %mul3A_19 : i32 to vector<16xi32>
      %add3A_21 = arith.addi %add3A_17, %add3A_20 : vector<16xi32>
      %sub3A = arith.constant 4095 : i32
      %sub3A_22 = vector.broadcast %sub3A : i32 to vector<16xi32>
      %sub3A_23 = arith.subi %add3A_21, %sub3A_22 : vector<16xi32>
      %abs3A = math.absi %sub3A_23 : vector<16xi32>
      %broadcast_in_dim3A = arith.constant 16 : i32
      %broadcast_in_dim3A_24 = vector.broadcast %broadcast_in_dim3A : i32 to vector<16xi32>
      %ge3A = arith.constant 19 : i32
      %ge3A_25 = vector.broadcast %ge3A : i32 to vector<16xi32>
      %ge3A_26 = arith.cmpi sge, %abs3A, %ge3A_25 : vector<16xi32>
      %jit3A = arith.constant 1 : i32
      %jit3A_27 = arith.constant 0 : i32
      %broadcast_in_dim3A_28 = vector.broadcast %jit3A : i32 to vector<16xi32>
      %broadcast_in_dim3A_29 = vector.broadcast %jit3A_27 : i32 to vector<16xi32>
      %select_n3A = arith.select %ge3A_26, %broadcast_in_dim3A_28, %broadcast_in_dim3A_29 : vector<16xi1>, vector<16xi32>
      %add3A_30 = arith.addi %broadcast_in_dim3A_24, %select_n3A : vector<16xi32>
      %ge3A_31 = arith.constant 22 : i32
      %ge3A_32 = vector.broadcast %ge3A_31 : i32 to vector<16xi32>
      %ge3A_33 = arith.cmpi sge, %abs3A, %ge3A_32 : vector<16xi32>
      %jit3A_34 = arith.constant 1 : i32
      %jit3A_35 = arith.constant 0 : i32
      %broadcast_in_dim3A_36 = vector.broadcast %jit3A_34 : i32 to vector<16xi32>
      %broadcast_in_dim3A_37 = vector.broadcast %jit3A_35 : i32 to vector<16xi32>
      %select_n3A_38 = arith.select %ge3A_33, %broadcast_in_dim3A_36, %broadcast_in_dim3A_37 : vector<16xi1>, vector<16xi32>
      %add3A_39 = arith.addi %add3A_30, %select_n3A_38 : vector<16xi32>
      %ge3A_40 = arith.constant 25 : i32
      %ge3A_41 = vector.broadcast %ge3A_40 : i32 to vector<16xi32>
      %ge3A_42 = arith.cmpi sge, %abs3A, %ge3A_41 : vector<16xi32>
      %jit3A_43 = arith.constant 1 : i32
      %jit3A_44 = arith.constant 0 : i32
      %broadcast_in_dim3A_45 = vector.broadcast %jit3A_43 : i32 to vector<16xi32>
      %broadcast_in_dim3A_46 = vector.broadcast %jit3A_44 : i32 to vector<16xi32>
      %select_n3A_47 = arith.select %ge3A_42, %broadcast_in_dim3A_45, %broadcast_in_dim3A_46 : vector<16xi1>, vector<16xi32>
      %add3A_48 = arith.addi %add3A_39, %select_n3A_47 : vector<16xi32>
      %ge3A_49 = arith.constant 28 : i32
      %ge3A_50 = vector.broadcast %ge3A_49 : i32 to vector<16xi32>
      %ge3A_51 = arith.cmpi sge, %abs3A, %ge3A_50 : vector<16xi32>
      %jit3A_52 = arith.constant 1 : i32
      %jit3A_53 = arith.constant 0 : i32
      %broadcast_in_dim3A_54 = vector.broadcast %jit3A_52 : i32 to vector<16xi32>
      %broadcast_in_dim3A_55 = vector.broadcast %jit3A_53 : i32 to vector<16xi32>
      %select_n3A_56 = arith.select %ge3A_51, %broadcast_in_dim3A_54, %broadcast_in_dim3A_55 : vector<16xi1>, vector<16xi32>
      %add3A_57 = arith.addi %add3A_48, %select_n3A_56 : vector<16xi32>
      %ge3A_58 = arith.constant 32 : i32
      %ge3A_59 = vector.broadcast %ge3A_58 : i32 to vector<16xi32>
      %ge3A_60 = arith.cmpi sge, %abs3A, %ge3A_59 : vector<16xi32>
      %jit3A_61 = arith.constant 1 : i32
      %jit3A_62 = arith.constant 0 : i32
      %broadcast_in_dim3A_63 = vector.broadcast %jit3A_61 : i32 to vector<16xi32>
      %broadcast_in_dim3A_64 = vector.broadcast %jit3A_62 : i32 to vector<16xi32>
      %select_n3A_65 = arith.select %ge3A_60, %broadcast_in_dim3A_63, %broadcast_in_dim3A_64 : vector<16xi1>, vector<16xi32>
      %add3A_66 = arith.addi %add3A_57, %select_n3A_65 : vector<16xi32>
      %ge3A_67 = arith.constant 37 : i32
      %ge3A_68 = vector.broadcast %ge3A_67 : i32 to vector<16xi32>
      %ge3A_69 = arith.cmpi sge, %abs3A, %ge3A_68 : vector<16xi32>
      %jit3A_70 = arith.constant 1 : i32
      %jit3A_71 = arith.constant 0 : i32
      %broadcast_in_dim3A_72 = vector.broadcast %jit3A_70 : i32 to vector<16xi32>
      %broadcast_in_dim3A_73 = vector.broadcast %jit3A_71 : i32 to vector<16xi32>
      %select_n3A_74 = arith.select %ge3A_69, %broadcast_in_dim3A_72, %broadcast_in_dim3A_73 : vector<16xi1>, vector<16xi32>
      %add3A_75 = arith.addi %add3A_66, %select_n3A_74 : vector<16xi32>
      %ge3A_76 = arith.constant 43 : i32
      %ge3A_77 = vector.broadcast %ge3A_76 : i32 to vector<16xi32>
      %ge3A_78 = arith.cmpi sge, %abs3A, %ge3A_77 : vector<16xi32>
      %jit3A_79 = arith.constant 1 : i32
      %jit3A_80 = arith.constant 0 : i32
      %broadcast_in_dim3A_81 = vector.broadcast %jit3A_79 : i32 to vector<16xi32>
      %broadcast_in_dim3A_82 = vector.broadcast %jit3A_80 : i32 to vector<16xi32>
      %select_n3A_83 = arith.select %ge3A_78, %broadcast_in_dim3A_81, %broadcast_in_dim3A_82 : vector<16xi1>, vector<16xi32>
      %add3A_84 = arith.addi %add3A_75, %select_n3A_83 : vector<16xi32>
      %ge3A_85 = arith.constant 49 : i32
      %ge3A_86 = vector.broadcast %ge3A_85 : i32 to vector<16xi32>
      %ge3A_87 = arith.cmpi sge, %abs3A, %ge3A_86 : vector<16xi32>
      %jit3A_88 = arith.constant 1 : i32
      %jit3A_89 = arith.constant 0 : i32
      %broadcast_in_dim3A_90 = vector.broadcast %jit3A_88 : i32 to vector<16xi32>
      %broadcast_in_dim3A_91 = vector.broadcast %jit3A_89 : i32 to vector<16xi32>
      %select_n3A_92 = arith.select %ge3A_87, %broadcast_in_dim3A_90, %broadcast_in_dim3A_91 : vector<16xi1>, vector<16xi32>
      %add3A_93 = arith.addi %add3A_84, %select_n3A_92 : vector<16xi32>
      %ge3A_94 = arith.constant 56 : i32
      %ge3A_95 = vector.broadcast %ge3A_94 : i32 to vector<16xi32>
      %ge3A_96 = arith.cmpi sge, %abs3A, %ge3A_95 : vector<16xi32>
      %jit3A_97 = arith.constant 1 : i32
      %jit3A_98 = arith.constant 0 : i32
      %broadcast_in_dim3A_99 = vector.broadcast %jit3A_97 : i32 to vector<16xi32>
      %broadcast_in_dim3A_100 = vector.broadcast %jit3A_98 : i32 to vector<16xi32>
      %select_n3A_101 = arith.select %ge3A_96, %broadcast_in_dim3A_99, %broadcast_in_dim3A_100 : vector<16xi1>, vector<16xi32>
      %add3A_102 = arith.addi %add3A_93, %select_n3A_101 : vector<16xi32>
      %ge3A_103 = arith.constant 64 : i32
      %ge3A_104 = vector.broadcast %ge3A_103 : i32 to vector<16xi32>
      %ge3A_105 = arith.cmpi sge, %abs3A, %ge3A_104 : vector<16xi32>
      %jit3A_106 = arith.constant 1 : i32
      %jit3A_107 = arith.constant 0 : i32
      %broadcast_in_dim3A_108 = vector.broadcast %jit3A_106 : i32 to vector<16xi32>
      %broadcast_in_dim3A_109 = vector.broadcast %jit3A_107 : i32 to vector<16xi32>
      %select_n3A_110 = arith.select %ge3A_105, %broadcast_in_dim3A_108, %broadcast_in_dim3A_109 : vector<16xi1>, vector<16xi32>
      %add3A_111 = arith.addi %add3A_102, %select_n3A_110 : vector<16xi32>
      %ge3A_112 = arith.constant 74 : i32
      %ge3A_113 = vector.broadcast %ge3A_112 : i32 to vector<16xi32>
      %ge3A_114 = arith.cmpi sge, %abs3A, %ge3A_113 : vector<16xi32>
      %jit3A_115 = arith.constant 1 : i32
      %jit3A_116 = arith.constant 0 : i32
      %broadcast_in_dim3A_117 = vector.broadcast %jit3A_115 : i32 to vector<16xi32>
      %broadcast_in_dim3A_118 = vector.broadcast %jit3A_116 : i32 to vector<16xi32>
      %select_n3A_119 = arith.select %ge3A_114, %broadcast_in_dim3A_117, %broadcast_in_dim3A_118 : vector<16xi1>, vector<16xi32>
      %add3A_120 = arith.addi %add3A_111, %select_n3A_119 : vector<16xi32>
      %ge3A_121 = arith.constant 85 : i32
      %ge3A_122 = vector.broadcast %ge3A_121 : i32 to vector<16xi32>
      %ge3A_123 = arith.cmpi sge, %abs3A, %ge3A_122 : vector<16xi32>
      %jit3A_124 = arith.constant 1 : i32
      %jit3A_125 = arith.constant 0 : i32
      %broadcast_in_dim3A_126 = vector.broadcast %jit3A_124 : i32 to vector<16xi32>
      %broadcast_in_dim3A_127 = vector.broadcast %jit3A_125 : i32 to vector<16xi32>
      %select_n3A_128 = arith.select %ge3A_123, %broadcast_in_dim3A_126, %broadcast_in_dim3A_127 : vector<16xi1>, vector<16xi32>
      %add3A_129 = arith.addi %add3A_120, %select_n3A_128 : vector<16xi32>
      %ge3A_130 = arith.constant 98 : i32
      %ge3A_131 = vector.broadcast %ge3A_130 : i32 to vector<16xi32>
      %ge3A_132 = arith.cmpi sge, %abs3A, %ge3A_131 : vector<16xi32>
      %jit3A_133 = arith.constant 1 : i32
      %jit3A_134 = arith.constant 0 : i32
      %broadcast_in_dim3A_135 = vector.broadcast %jit3A_133 : i32 to vector<16xi32>
      %broadcast_in_dim3A_136 = vector.broadcast %jit3A_134 : i32 to vector<16xi32>
      %select_n3A_137 = arith.select %ge3A_132, %broadcast_in_dim3A_135, %broadcast_in_dim3A_136 : vector<16xi1>, vector<16xi32>
      %add3A_138 = arith.addi %add3A_129, %select_n3A_137 : vector<16xi32>
      %ge3A_139 = arith.constant 112 : i32
      %ge3A_140 = vector.broadcast %ge3A_139 : i32 to vector<16xi32>
      %ge3A_141 = arith.cmpi sge, %abs3A, %ge3A_140 : vector<16xi32>
      %jit3A_142 = arith.constant 1 : i32
      %jit3A_143 = arith.constant 0 : i32
      %broadcast_in_dim3A_144 = vector.broadcast %jit3A_142 : i32 to vector<16xi32>
      %broadcast_in_dim3A_145 = vector.broadcast %jit3A_143 : i32 to vector<16xi32>
      %select_n3A_146 = arith.select %ge3A_141, %broadcast_in_dim3A_144, %broadcast_in_dim3A_145 : vector<16xi1>, vector<16xi32>
      %add3A_147 = arith.addi %add3A_138, %select_n3A_146 : vector<16xi32>
      %ge3A_148 = arith.constant 128 : i32
      %ge3A_149 = vector.broadcast %ge3A_148 : i32 to vector<16xi32>
      %ge3A_150 = arith.cmpi sge, %abs3A, %ge3A_149 : vector<16xi32>
      %jit3A_151 = arith.constant 1 : i32
      %jit3A_152 = arith.constant 0 : i32
      %broadcast_in_dim3A_153 = vector.broadcast %jit3A_151 : i32 to vector<16xi32>
      %broadcast_in_dim3A_154 = vector.broadcast %jit3A_152 : i32 to vector<16xi32>
      %select_n3A_155 = arith.select %ge3A_150, %broadcast_in_dim3A_153, %broadcast_in_dim3A_154 : vector<16xi1>, vector<16xi32>
      %add3A_156 = arith.addi %add3A_147, %select_n3A_155 : vector<16xi32>
      %lt3A = arith.constant 16 : i32
      %lt3A_157 = vector.broadcast %lt3A : i32 to vector<16xi32>
      %lt3A_158 = arith.cmpi slt, %abs3A, %lt3A_157 : vector<16xi32>
      %select_n3A_159 = arith.select %lt3A_158, %abs3A, %add3A_156 : vector<16xi1>, vector<16xi32>
      %lt3A_160 = arith.constant 0 : i32
      %lt3A_161 = vector.broadcast %lt3A_160 : i32 to vector<16xi32>
      %lt3A_162 = arith.cmpi slt, %sub3A_23, %lt3A_161 : vector<16xi32>
      %jit3A_163 = arith.constant 16 : i32
      %jit3A_164 = arith.constant 0 : i32
      %broadcast_in_dim3A_165 = vector.broadcast %jit3A_163 : i32 to vector<16xi32>
      %broadcast_in_dim3A_166 = vector.broadcast %jit3A_164 : i32 to vector<16xi32>
      %select_n3A_167 = arith.select %lt3A_162, %broadcast_in_dim3A_165, %broadcast_in_dim3A_166 : vector<16xi1>, vector<16xi32>
      %add3A_168 = arith.addi %select_n3A_159, %select_n3A_167 : vector<16xi32>
      %min3A = arith.constant 31 : i32
      %min3A_169 = vector.broadcast %min3A : i32 to vector<16xi32>
      %min3A_170 = arith.minsi %add3A_168, %min3A_169 : vector<16xi32>
      %ge3A_171 = arith.constant 16 : i32
      %ge3A_172 = vector.broadcast %ge3A_171 : i32 to vector<16xi32>
      %ge3A_173 = arith.cmpi sge, %min3A_170, %ge3A_172 : vector<16xi32>
      %sub3A_174 = arith.constant 16 : i32
      %sub3A_175 = vector.broadcast %sub3A_174 : i32 to vector<16xi32>
      %sub3A_176 = arith.subi %min3A_170, %sub3A_175 : vector<16xi32>
      %select_n3A_177 = arith.select %ge3A_173, %sub3A_176, %min3A_170 : vector<16xi1>, vector<16xi32>
      %broadcast_in_dim3A_178 = vector.shape_cast %select_n3A_177 : vector<16xi32> to vector<16x1xi32>
      %gather3A = vector.shape_cast %broadcast_in_dim3A_178 : vector<16x1xi32> to vector<16xi32>
      %gather3A_179 = tpu.dynamic_gather %get3A_4[%gather3A] in [0] : vector<16xf32>, vector<16xi32> -> vector<16xf32>
      %broadcast_in_dim3A_180 = vector.shape_cast %select_n3A_177 : vector<16xi32> to vector<16x1xi32>
      %gather3A_181 = vector.shape_cast %broadcast_in_dim3A_180 : vector<16x1xi32> to vector<16xi32>
      %gather3A_182 = tpu.dynamic_gather %get3A_1[%gather3A_181] in [0] : vector<16xf32>, vector<16xi32> -> vector<16xf32>
      %select_n3A_183 = arith.select %ge3A_173, %gather3A_179, %gather3A_182 : vector<16xi1>, vector<16xf32>
      %mul3A_184 = arith.constant 16 : i32
      %mul3A_185 = arith.muli %scan3A_15, %mul3A_184 : i32
      %swap3A = arith.index_cast %mul3A_185 : i32 to index
      %swap3A_186 = tpu.vector_load %arg5[%swap3A] {strides = array<i32>} : memref<256xf32, #tpu.memory_space<vmem>>, vector<16xf32>,
      %swap3A_187 = vector.shape_cast %swap3A_186 : vector<16xf32> to vector<16xf32>
      %swap3A_188 = vector.shape_cast %select_n3A_183 : vector<16xf32> to vector<16xf32>
      tpu.vector_store %arg5[%swap3A], %swap3A_188 {strides = array<i32>} : memref<256xf32, #tpu.memory_space<vmem>>, vector<16xf32>,
    }
    %scan3A_12 = arith.constant 16 : i32
    %dma_start3A = tpu.memref_slice %arg3[%mul3A_7] : memref<8192xf32, #tpu.memory_space<hbm>> -> memref<256xf32, #tpu.memory_space<hbm>>
    %dma_start3A_13 = tpu.memref_slice %arg3[%mul3A_7] : memref<8192xf32, #tpu.memory_space<hbm>> -> memref<256xf32, #tpu.memory_space<hbm>>
    tpu.enqueue_dma source(%arg5 : memref<256xf32, #tpu.memory_space<vmem>>) target(%dma_start3A_13 : memref<256xf32, #tpu.memory_space<hbm>>) target_semaphore(%arg6 : memref<!tpu.dma_semaphore, #tpu.memory_space<semaphore_mem>>)
    %dma_wait3A = tpu.memref_slice %arg3[%mul3A_7] : memref<8192xf32, #tpu.memory_space<hbm>> -> memref<256xf32, #tpu.memory_space<hbm>>
    %dma_wait3A_14 = tpu.memref_slice %arg3[%mul3A_7] : memref<8192xf32, #tpu.memory_space<hbm>> -> memref<256xf32, #tpu.memory_space<hbm>>
    tpu.wait_dma2 semaphore(%arg6 : memref<!tpu.dma_semaphore, #tpu.memory_space<semaphore_mem>>) src(%arg5 : memref<256xf32, #tpu.memory_space<vmem>>) dst(%dma_wait3A_14 : memref<256xf32, #tpu.memory_space<hbm>>)
    return
  }
}

module attributes {stable_mosaic.version = 14 : i64} {
  func.func @_expand_kernel(%arg0: i32, %arg1: memref<64x128xf32, #tpu.memory_space<vmem>>, %arg2: memref<4096x32x128xf32, #tpu.memory_space<hbm>>, %arg3: memref<128x64x128xf32, #tpu.memory_space<vmem>>, %arg4: memref<!tpu.dma_semaphore, #tpu.memory_space<semaphore_mem>>) attributes {dimension_semantics = [#tpu.dimension_semantics<arbitrary>], iteration_bounds = array<i64: 1>, scalar_prefetch = 0 : i64, scratch_operands = 2 : i64, tpu.core_type = #tpu.core_type<tc>, window_params = [{pipeline_mode = #tpu.pipeline_mode<synchronous>, transform_indices = @transform_0, window_bounds = array<i64: 64, 128>}, {}]} {
    %get3A = arith.constant 0 : index
    %get3A_0 = arith.constant 0 : index
    %get3A_1 = vector.load %arg1[%get3A, %get3A_0] : memref<64x128xf32, #tpu.memory_space<vmem>>, vector<64x128xf32>
    %slice3A = vector.extract_strided_slice %get3A_1 {offsets = [0, 127], sizes = [64, 1], strides = [1, 1]} : vector<64x128xf32> to vector<64x1xf32>
    %slice3A_2 = vector.extract_strided_slice %get3A_1 {offsets = [0, 0], sizes = [64, 127], strides = [1, 1]} : vector<64x128xf32> to vector<64x127xf32>
    %concatenate3A = tpu.concatenate %slice3A, %slice3A_2 in 1 : vector<64x1xf32>, vector<64x127xf32> -> vector<64x128xf32>
    %broadcast_in_dim3A = arith.constant 0.000000e+00 : f32
    %broadcast_in_dim3A_3 = vector.broadcast %broadcast_in_dim3A : f32 to vector<1x128xf32>
    %slice3A_4 = vector.extract_strided_slice %concatenate3A {offsets = [0, 0], sizes = [63, 128], strides = [1, 1]} : vector<64x128xf32> to vector<63x128xf32>
    %concatenate3A_5 = tpu.concatenate %broadcast_in_dim3A_3, %slice3A_4 in 0 : vector<1x128xf32>, vector<63x128xf32> -> vector<64x128xf32>
    %iota3A = tpu.iota {dimensions = array<i32: 1>} : vector<64x128xi32>
    %ge3A = arith.constant 1 : i32
    %ge3A_6 = vector.broadcast %ge3A : i32 to vector<64x128xi32>
    %ge3A_7 = arith.cmpi sge, %iota3A, %ge3A_6 : vector<64x128xi32>
    %select_n3A = arith.select %ge3A_7, %concatenate3A, %concatenate3A_5 : vector<64x128xi1>, vector<64x128xf32>
    %broadcast_in_dim3A_8 = vector.shape_cast %select_n3A : vector<64x128xf32> to vector<1x64x128xf32>
    %swap3A = arith.constant 0 : index
    %swap3A_9 = arith.constant 0 : index
    %swap3A_10 = arith.constant 0 : index
    %swap3A_11 = vector.load %arg3[%swap3A, %swap3A_9, %swap3A_10] : memref<128x64x128xf32, #tpu.memory_space<vmem>>, vector<1x64x128xf32>
    tpu.vector_store %arg3[%swap3A, %swap3A_9, %swap3A_10], %broadcast_in_dim3A_8 {strides = array<i32>} : memref<128x64x128xf32, #tpu.memory_space<vmem>>, vector<1x64x128xf32>,
    %get3A_12 = arith.constant 0 : index
    %get3A_13 = arith.constant 0 : index
    %get3A_14 = arith.constant 0 : index
    %get3A_15 = vector.load %arg3[%get3A_12, %get3A_13, %get3A_14] : memref<128x64x128xf32, #tpu.memory_space<vmem>>, vector<1x64x128xf32>
    %slice3A_16 = vector.extract_strided_slice %get3A_15 {offsets = [0, 0, 127], sizes = [1, 64, 1], strides = [1, 1, 1]} : vector<1x64x128xf32> to vector<1x64x1xf32>
    %slice3A_17 = vector.extract_strided_slice %get3A_15 {offsets = [0, 0, 0], sizes = [1, 64, 127], strides = [1, 1, 1]} : vector<1x64x128xf32> to vector<1x64x127xf32>
    %concatenate3A_18 = tpu.concatenate %slice3A_16, %slice3A_17 in 2 : vector<1x64x1xf32>, vector<1x64x127xf32> -> vector<1x64x128xf32>
    %broadcast_in_dim3A_19 = arith.constant 0.000000e+00 : f32
    %broadcast_in_dim3A_20 = vector.broadcast %broadcast_in_dim3A_19 : f32 to vector<1x1x128xf32>
    %slice3A_21 = vector.extract_strided_slice %concatenate3A_18 {offsets = [0, 0, 0], sizes = [1, 63, 128], strides = [1, 1, 1]} : vector<1x64x128xf32> to vector<1x63x128xf32>
    %concatenate3A_22 = tpu.concatenate %broadcast_in_dim3A_20, %slice3A_21 in 1 : vector<1x1x128xf32>, vector<1x63x128xf32> -> vector<1x64x128xf32>
    %iota3A_23 = tpu.iota {dimensions = array<i32: 2>} : vector<1x64x128xi32>
    %ge3A_24 = arith.constant 1 : i32
    %ge3A_25 = vector.broadcast %ge3A_24 : i32 to vector<1x64x128xi32>
    %ge3A_26 = arith.cmpi sge, %iota3A_23, %ge3A_25 : vector<1x64x128xi32>
    %select_n3A_27 = arith.select %ge3A_26, %concatenate3A_18, %concatenate3A_22 : vector<1x64x128xi1>, vector<1x64x128xf32>
    %swap3A_28 = arith.constant 1 : index
    %swap3A_29 = arith.constant 0 : index
    %swap3A_30 = arith.constant 0 : index
    %swap3A_31 = vector.load %arg3[%swap3A_28, %swap3A_29, %swap3A_30] : memref<128x64x128xf32, #tpu.memory_space<vmem>>, vector<1x64x128xf32>
    tpu.vector_store %arg3[%swap3A_28, %swap3A_29, %swap3A_30], %select_n3A_27 {strides = array<i32>} : memref<128x64x128xf32, #tpu.memory_space<vmem>>, vector<1x64x128xf32>,
    %get3A_32 = arith.constant 0 : index
    %get3A_33 = arith.constant 0 : index
    %get3A_34 = arith.constant 0 : index
    %get3A_35 = vector.load %arg3[%get3A_32, %get3A_33, %get3A_34] : memref<128x64x128xf32, #tpu.memory_space<vmem>>, vector<2x64x128xf32>
    %slice3A_36 = vector.extract_strided_slice %get3A_35 {offsets = [0, 0, 126], sizes = [2, 64, 2], strides = [1, 1, 1]} : vector<2x64x128xf32> to vector<2x64x2xf32>
    %slice3A_37 = vector.extract_strided_slice %get3A_35 {offsets = [0, 0, 0], sizes = [2, 64, 126], strides = [1, 1, 1]} : vector<2x64x128xf32> to vector<2x64x126xf32>
    %concatenate3A_38 = tpu.concatenate %slice3A_36, %slice3A_37 in 2 : vector<2x64x2xf32>, vector<2x64x126xf32> -> vector<2x64x128xf32>
    %broadcast_in_dim3A_39 = arith.constant 0.000000e+00 : f32
    %broadcast_in_dim3A_40 = vector.broadcast %broadcast_in_dim3A_39 : f32 to vector<2x1x128xf32>
    %slice3A_41 = vector.extract_strided_slice %concatenate3A_38 {offsets = [0, 0, 0], sizes = [2, 63, 128], strides = [1, 1, 1]} : vector<2x64x128xf32> to vector<2x63x128xf32>
    %concatenate3A_42 = tpu.concatenate %broadcast_in_dim3A_40, %slice3A_41 in 1 : vector<2x1x128xf32>, vector<2x63x128xf32> -> vector<2x64x128xf32>
    %iota3A_43 = tpu.iota {dimensions = array<i32: 2>} : vector<2x64x128xi32>
    %ge3A_44 = arith.constant 2 : i32
    %ge3A_45 = vector.broadcast %ge3A_44 : i32 to vector<2x64x128xi32>
    %ge3A_46 = arith.cmpi sge, %iota3A_43, %ge3A_45 : vector<2x64x128xi32>
    %select_n3A_47 = arith.select %ge3A_46, %concatenate3A_38, %concatenate3A_42 : vector<2x64x128xi1>, vector<2x64x128xf32>
    %swap3A_48 = arith.constant 2 : index
    %swap3A_49 = arith.constant 0 : index
    %swap3A_50 = arith.constant 0 : index
    %swap3A_51 = vector.load %arg3[%swap3A_48, %swap3A_49, %swap3A_50] : memref<128x64x128xf32, #tpu.memory_space<vmem>>, vector<2x64x128xf32>
    tpu.vector_store %arg3[%swap3A_48, %swap3A_49, %swap3A_50], %select_n3A_47 {strides = array<i32>} : memref<128x64x128xf32, #tpu.memory_space<vmem>>, vector<2x64x128xf32>,
    %get3A_52 = arith.constant 0 : index
    %get3A_53 = arith.constant 0 : index
    %get3A_54 = arith.constant 0 : index
    %get3A_55 = vector.load %arg3[%get3A_52, %get3A_53, %get3A_54] : memref<128x64x128xf32, #tpu.memory_space<vmem>>, vector<4x64x128xf32>
    %slice3A_56 = vector.extract_strided_slice %get3A_55 {offsets = [0, 0, 124], sizes = [4, 64, 4], strides = [1, 1, 1]} : vector<4x64x128xf32> to vector<4x64x4xf32>
    %slice3A_57 = vector.extract_strided_slice %get3A_55 {offsets = [0, 0, 0], sizes = [4, 64, 124], strides = [1, 1, 1]} : vector<4x64x128xf32> to vector<4x64x124xf32>
    %concatenate3A_58 = tpu.concatenate %slice3A_56, %slice3A_57 in 2 : vector<4x64x4xf32>, vector<4x64x124xf32> -> vector<4x64x128xf32>
    %broadcast_in_dim3A_59 = arith.constant 0.000000e+00 : f32
    %broadcast_in_dim3A_60 = vector.broadcast %broadcast_in_dim3A_59 : f32 to vector<4x1x128xf32>
    %slice3A_61 = vector.extract_strided_slice %concatenate3A_58 {offsets = [0, 0, 0], sizes = [4, 63, 128], strides = [1, 1, 1]} : vector<4x64x128xf32> to vector<4x63x128xf32>
    %concatenate3A_62 = tpu.concatenate %broadcast_in_dim3A_60, %slice3A_61 in 1 : vector<4x1x128xf32>, vector<4x63x128xf32> -> vector<4x64x128xf32>
    %iota3A_63 = tpu.iota {dimensions = array<i32: 2>} : vector<4x64x128xi32>
    %ge3A_64 = arith.constant 4 : i32
    %ge3A_65 = vector.broadcast %ge3A_64 : i32 to vector<4x64x128xi32>
    %ge3A_66 = arith.cmpi sge, %iota3A_63, %ge3A_65 : vector<4x64x128xi32>
    %select_n3A_67 = arith.select %ge3A_66, %concatenate3A_58, %concatenate3A_62 : vector<4x64x128xi1>, vector<4x64x128xf32>
    %swap3A_68 = arith.constant 4 : index
    %swap3A_69 = arith.constant 0 : index
    %swap3A_70 = arith.constant 0 : index
    %swap3A_71 = vector.load %arg3[%swap3A_68, %swap3A_69, %swap3A_70] : memref<128x64x128xf32, #tpu.memory_space<vmem>>, vector<4x64x128xf32>
    tpu.vector_store %arg3[%swap3A_68, %swap3A_69, %swap3A_70], %select_n3A_67 {strides = array<i32>} : memref<128x64x128xf32, #tpu.memory_space<vmem>>, vector<4x64x128xf32>,
    %get3A_72 = arith.constant 0 : index
    %get3A_73 = arith.constant 0 : index
    %get3A_74 = arith.constant 0 : index
    %get3A_75 = vector.load %arg3[%get3A_72, %get3A_73, %get3A_74] : memref<128x64x128xf32, #tpu.memory_space<vmem>>, vector<8x64x128xf32>
    %slice3A_76 = vector.extract_strided_slice %get3A_75 {offsets = [0, 0, 120], sizes = [8, 64, 8], strides = [1, 1, 1]} : vector<8x64x128xf32> to vector<8x64x8xf32>
    %slice3A_77 = vector.extract_strided_slice %get3A_75 {offsets = [0, 0, 0], sizes = [8, 64, 120], strides = [1, 1, 1]} : vector<8x64x128xf32> to vector<8x64x120xf32>
    %concatenate3A_78 = tpu.concatenate %slice3A_76, %slice3A_77 in 2 : vector<8x64x8xf32>, vector<8x64x120xf32> -> vector<8x64x128xf32>
    %broadcast_in_dim3A_79 = arith.constant 0.000000e+00 : f32
    %broadcast_in_dim3A_80 = vector.broadcast %broadcast_in_dim3A_79 : f32 to vector<8x1x128xf32>
    %slice3A_81 = vector.extract_strided_slice %concatenate3A_78 {offsets = [0, 0, 0], sizes = [8, 63, 128], strides = [1, 1, 1]} : vector<8x64x128xf32> to vector<8x63x128xf32>
    %concatenate3A_82 = tpu.concatenate %broadcast_in_dim3A_80, %slice3A_81 in 1 : vector<8x1x128xf32>, vector<8x63x128xf32> -> vector<8x64x128xf32>
    %iota3A_83 = tpu.iota {dimensions = array<i32: 2>} : vector<8x64x128xi32>
    %ge3A_84 = arith.constant 8 : i32
    %ge3A_85 = vector.broadcast %ge3A_84 : i32 to vector<8x64x128xi32>
    %ge3A_86 = arith.cmpi sge, %iota3A_83, %ge3A_85 : vector<8x64x128xi32>
    %select_n3A_87 = arith.select %ge3A_86, %concatenate3A_78, %concatenate3A_82 : vector<8x64x128xi1>, vector<8x64x128xf32>
    %swap3A_88 = arith.constant 8 : index
    %swap3A_89 = arith.constant 0 : index
    %swap3A_90 = arith.constant 0 : index
    %swap3A_91 = vector.load %arg3[%swap3A_88, %swap3A_89, %swap3A_90] : memref<128x64x128xf32, #tpu.memory_space<vmem>>, vector<8x64x128xf32>
    tpu.vector_store %arg3[%swap3A_88, %swap3A_89, %swap3A_90], %select_n3A_87 {strides = array<i32>} : memref<128x64x128xf32, #tpu.memory_space<vmem>>, vector<8x64x128xf32>,
    %get3A_92 = arith.constant 0 : index
    %get3A_93 = arith.constant 0 : index
    %get3A_94 = arith.constant 0 : index
    %get3A_95 = vector.load %arg3[%get3A_92, %get3A_93, %get3A_94] : memref<128x64x128xf32, #tpu.memory_space<vmem>>, vector<16x64x128xf32>
    %slice3A_96 = vector.extract_strided_slice %get3A_95 {offsets = [0, 0, 112], sizes = [16, 64, 16], strides = [1, 1, 1]} : vector<16x64x128xf32> to vector<16x64x16xf32>
    %slice3A_97 = vector.extract_strided_slice %get3A_95 {offsets = [0, 0, 0], sizes = [16, 64, 112], strides = [1, 1, 1]} : vector<16x64x128xf32> to vector<16x64x112xf32>
    %concatenate3A_98 = tpu.concatenate %slice3A_96, %slice3A_97 in 2 : vector<16x64x16xf32>, vector<16x64x112xf32> -> vector<16x64x128xf32>
    %broadcast_in_dim3A_99 = arith.constant 0.000000e+00 : f32
    %broadcast_in_dim3A_100 = vector.broadcast %broadcast_in_dim3A_99 : f32 to vector<16x1x128xf32>
    %slice3A_101 = vector.extract_strided_slice %concatenate3A_98 {offsets = [0, 0, 0], sizes = [16, 63, 128], strides = [1, 1, 1]} : vector<16x64x128xf32> to vector<16x63x128xf32>
    %concatenate3A_102 = tpu.concatenate %broadcast_in_dim3A_100, %slice3A_101 in 1 : vector<16x1x128xf32>, vector<16x63x128xf32> -> vector<16x64x128xf32>
    %iota3A_103 = tpu.iota {dimensions = array<i32: 2>} : vector<16x64x128xi32>
    %ge3A_104 = arith.constant 16 : i32
    %ge3A_105 = vector.broadcast %ge3A_104 : i32 to vector<16x64x128xi32>
    %ge3A_106 = arith.cmpi sge, %iota3A_103, %ge3A_105 : vector<16x64x128xi32>
    %select_n3A_107 = arith.select %ge3A_106, %concatenate3A_98, %concatenate3A_102 : vector<16x64x128xi1>, vector<16x64x128xf32>
    %swap3A_108 = arith.constant 16 : index
    %swap3A_109 = arith.constant 0 : index
    %swap3A_110 = arith.constant 0 : index
    %swap3A_111 = vector.load %arg3[%swap3A_108, %swap3A_109, %swap3A_110] : memref<128x64x128xf32, #tpu.memory_space<vmem>>, vector<16x64x128xf32>
    tpu.vector_store %arg3[%swap3A_108, %swap3A_109, %swap3A_110], %select_n3A_107 {strides = array<i32>} : memref<128x64x128xf32, #tpu.memory_space<vmem>>, vector<16x64x128xf32>,
    %get3A_112 = arith.constant 0 : index
    %get3A_113 = arith.constant 0 : index
    %get3A_114 = arith.constant 0 : index
    %get3A_115 = vector.load %arg3[%get3A_112, %get3A_113, %get3A_114] : memref<128x64x128xf32, #tpu.memory_space<vmem>>, vector<32x64x128xf32>
    %slice3A_116 = vector.extract_strided_slice %get3A_115 {offsets = [0, 0, 96], sizes = [32, 64, 32], strides = [1, 1, 1]} : vector<32x64x128xf32> to vector<32x64x32xf32>
    %slice3A_117 = vector.extract_strided_slice %get3A_115 {offsets = [0, 0, 0], sizes = [32, 64, 96], strides = [1, 1, 1]} : vector<32x64x128xf32> to vector<32x64x96xf32>
    %concatenate3A_118 = tpu.concatenate %slice3A_116, %slice3A_117 in 2 : vector<32x64x32xf32>, vector<32x64x96xf32> -> vector<32x64x128xf32>
    %broadcast_in_dim3A_119 = arith.constant 0.000000e+00 : f32
    %broadcast_in_dim3A_120 = vector.broadcast %broadcast_in_dim3A_119 : f32 to vector<32x1x128xf32>
    %slice3A_121 = vector.extract_strided_slice %concatenate3A_118 {offsets = [0, 0, 0], sizes = [32, 63, 128], strides = [1, 1, 1]} : vector<32x64x128xf32> to vector<32x63x128xf32>
    %concatenate3A_122 = tpu.concatenate %broadcast_in_dim3A_120, %slice3A_121 in 1 : vector<32x1x128xf32>, vector<32x63x128xf32> -> vector<32x64x128xf32>
    %iota3A_123 = tpu.iota {dimensions = array<i32: 2>} : vector<32x64x128xi32>
    %ge3A_124 = arith.constant 32 : i32
    %ge3A_125 = vector.broadcast %ge3A_124 : i32 to vector<32x64x128xi32>
    %ge3A_126 = arith.cmpi sge, %iota3A_123, %ge3A_125 : vector<32x64x128xi32>
    %select_n3A_127 = arith.select %ge3A_126, %concatenate3A_118, %concatenate3A_122 : vector<32x64x128xi1>, vector<32x64x128xf32>
    %swap3A_128 = arith.constant 32 : index
    %swap3A_129 = arith.constant 0 : index
    %swap3A_130 = arith.constant 0 : index
    %swap3A_131 = vector.load %arg3[%swap3A_128, %swap3A_129, %swap3A_130] : memref<128x64x128xf32, #tpu.memory_space<vmem>>, vector<32x64x128xf32>
    tpu.vector_store %arg3[%swap3A_128, %swap3A_129, %swap3A_130], %select_n3A_127 {strides = array<i32>} : memref<128x64x128xf32, #tpu.memory_space<vmem>>, vector<32x64x128xf32>,
    %get3A_132 = arith.constant 0 : index
    %get3A_133 = arith.constant 0 : index
    %get3A_134 = arith.constant 0 : index
    %get3A_135 = vector.load %arg3[%get3A_132, %get3A_133, %get3A_134] : memref<128x64x128xf32, #tpu.memory_space<vmem>>, vector<64x64x128xf32>
    %slice3A_136 = vector.extract_strided_slice %get3A_135 {offsets = [0, 0, 64], sizes = [64, 64, 64], strides = [1, 1, 1]} : vector<64x64x128xf32> to vector<64x64x64xf32>
    %slice3A_137 = vector.extract_strided_slice %get3A_135 {offsets = [0, 0, 0], sizes = [64, 64, 64], strides = [1, 1, 1]} : vector<64x64x128xf32> to vector<64x64x64xf32>
    %concatenate3A_138 = tpu.concatenate %slice3A_136, %slice3A_137 in 2 : vector<64x64x64xf32>, vector<64x64x64xf32> -> vector<64x64x128xf32>
    %broadcast_in_dim3A_139 = arith.constant 0.000000e+00 : f32
    %broadcast_in_dim3A_140 = vector.broadcast %broadcast_in_dim3A_139 : f32 to vector<64x1x128xf32>
    %slice3A_141 = vector.extract_strided_slice %concatenate3A_138 {offsets = [0, 0, 0], sizes = [64, 63, 128], strides = [1, 1, 1]} : vector<64x64x128xf32> to vector<64x63x128xf32>
    %concatenate3A_142 = tpu.concatenate %broadcast_in_dim3A_140, %slice3A_141 in 1 : vector<64x1x128xf32>, vector<64x63x128xf32> -> vector<64x64x128xf32>
    %iota3A_143 = tpu.iota {dimensions = array<i32: 2>} : vector<64x64x128xi32>
    %ge3A_144 = arith.constant 64 : i32
    %ge3A_145 = vector.broadcast %ge3A_144 : i32 to vector<64x64x128xi32>
    %ge3A_146 = arith.cmpi sge, %iota3A_143, %ge3A_145 : vector<64x64x128xi32>
    %select_n3A_147 = arith.select %ge3A_146, %concatenate3A_138, %concatenate3A_142 : vector<64x64x128xi1>, vector<64x64x128xf32>
    %swap3A_148 = arith.constant 64 : index
    %swap3A_149 = arith.constant 0 : index
    %swap3A_150 = arith.constant 0 : index
    %swap3A_151 = vector.load %arg3[%swap3A_148, %swap3A_149, %swap3A_150] : memref<128x64x128xf32, #tpu.memory_space<vmem>>, vector<64x64x128xf32>
    tpu.vector_store %arg3[%swap3A_148, %swap3A_149, %swap3A_150], %select_n3A_147 {strides = array<i32>} : memref<128x64x128xf32, #tpu.memory_space<vmem>>, vector<64x64x128xf32>,
    %dma_start3A = arith.constant 0 : i32
    %dma_start3A_152 = arith.constant 0 : i32
    %dma_start3A_153 = arith.constant 0 : i32
    %dma_start3A_154 = tpu.memref_slice %arg2[%dma_start3A, %dma_start3A_152, %dma_start3A_153] : memref<4096x32x128xf32, #tpu.memory_space<hbm>> -> memref<64x32x128xf32, #tpu.memory_space<hbm>>
    %dma_start3A_155 = arith.constant 0 : i32
    %dma_start3A_156 = arith.constant 32 : i32
    %dma_start3A_157 = arith.constant 0 : i32
    %dma_start3A_158 = tpu.memref_slice %arg3[%dma_start3A_155, %dma_start3A_156, %dma_start3A_157] : memref<128x64x128xf32, #tpu.memory_space<vmem>> -> memref<64x32x128xf32, #tpu.memory_space<vmem>>
    tpu.enqueue_dma source(%dma_start3A_158 : memref<64x32x128xf32, #tpu.memory_space<vmem>>) target(%dma_start3A_154 : memref<64x32x128xf32, #tpu.memory_space<hbm>>) target_semaphore(%arg4 : memref<!tpu.dma_semaphore, #tpu.memory_space<semaphore_mem>>)
    %dma_start3A_159 = arith.constant 64 : i32
    %dma_start3A_160 = arith.constant 0 : i32
    %dma_start3A_161 = arith.constant 0 : i32
    %dma_start3A_162 = tpu.memref_slice %arg2[%dma_start3A_159, %dma_start3A_160, %dma_start3A_161] : memref<4096x32x128xf32, #tpu.memory_space<hbm>> -> memref<64x32x128xf32, #tpu.memory_space<hbm>>
    %dma_start3A_163 = arith.constant 64 : i32
    %dma_start3A_164 = arith.constant 32 : i32
    %dma_start3A_165 = arith.constant 0 : i32
    %dma_start3A_166 = tpu.memref_slice %arg3[%dma_start3A_163, %dma_start3A_164, %dma_start3A_165] : memref<128x64x128xf32, #tpu.memory_space<vmem>> -> memref<64x32x128xf32, #tpu.memory_space<vmem>>
    tpu.enqueue_dma source(%dma_start3A_166 : memref<64x32x128xf32, #tpu.memory_space<vmem>>) target(%dma_start3A_162 : memref<64x32x128xf32, #tpu.memory_space<hbm>>) target_semaphore(%arg4 : memref<!tpu.dma_semaphore, #tpu.memory_space<semaphore_mem>>)
    %dma_start3A_167 = arith.constant 128 : i32
    %dma_start3A_168 = arith.constant 0 : i32
    %dma_start3A_169 = arith.constant 0 : i32
    %dma_start3A_170 = tpu.memref_slice %arg2[%dma_start3A_167, %dma_start3A_168, %dma_start3A_169] : memref<4096x32x128xf32, #tpu.memory_space<hbm>> -> memref<64x32x128xf32, #tpu.memory_space<hbm>>
    %dma_start3A_171 = arith.constant 0 : i32
    %dma_start3A_172 = arith.constant 31 : i32
    %dma_start3A_173 = arith.constant 0 : i32
    %dma_start3A_174 = tpu.memref_slice %arg3[%dma_start3A_171, %dma_start3A_172, %dma_start3A_173] : memref<128x64x128xf32, #tpu.memory_space<vmem>> -> memref<64x32x128xf32, #tpu.memory_space<vmem>>
    tpu.enqueue_dma source(%dma_start3A_174 : memref<64x32x128xf32, #tpu.memory_space<vmem>>) target(%dma_start3A_170 : memref<64x32x128xf32, #tpu.memory_space<hbm>>) target_semaphore(%arg4 : memref<!tpu.dma_semaphore, #tpu.memory_space<semaphore_mem>>)
    %dma_start3A_175 = arith.constant 192 : i32
    %dma_start3A_176 = arith.constant 0 : i32
    %dma_start3A_177 = arith.constant 0 : i32
    %dma_start3A_178 = tpu.memref_slice %arg2[%dma_start3A_175, %dma_start3A_176, %dma_start3A_177] : memref<4096x32x128xf32, #tpu.memory_space<hbm>> -> memref<64x32x128xf32, #tpu.memory_space<hbm>>
    %dma_start3A_179 = arith.constant 64 : i32
    %dma_start3A_180 = arith.constant 31 : i32
    %dma_start3A_181 = arith.constant 0 : i32
    %dma_start3A_182 = tpu.memref_slice %arg3[%dma_start3A_179, %dma_start3A_180, %dma_start3A_181] : memref<128x64x128xf32, #tpu.memory_space<vmem>> -> memref<64x32x128xf32, #tpu.memory_space<vmem>>
    tpu.enqueue_dma source(%dma_start3A_182 : memref<64x32x128xf32, #tpu.memory_space<vmem>>) target(%dma_start3A_178 : memref<64x32x128xf32, #tpu.memory_space<hbm>>) target_semaphore(%arg4 : memref<!tpu.dma_semaphore, #tpu.memory_space<semaphore_mem>>)
    %dma_start3A_183 = arith.constant 256 : i32
    %dma_start3A_184 = arith.constant 0 : i32
    %dma_start3A_185 = arith.constant 0 : i32
    %dma_start3A_186 = tpu.memref_slice %arg2[%dma_start3A_183, %dma_start3A_184, %dma_start3A_185] : memref<4096x32x128xf32, #tpu.memory_space<hbm>> -> memref<64x32x128xf32, #tpu.memory_space<hbm>>
    %dma_start3A_187 = arith.constant 0 : i32
    %dma_start3A_188 = arith.constant 30 : i32
    %dma_start3A_189 = arith.constant 0 : i32
    %dma_start3A_190 = tpu.memref_slice %arg3[%dma_start3A_187, %dma_start3A_188, %dma_start3A_189] : memref<128x64x128xf32, #tpu.memory_space<vmem>> -> memref<64x32x128xf32, #tpu.memory_space<vmem>>
    tpu.enqueue_dma source(%dma_start3A_190 : memref<64x32x128xf32, #tpu.memory_space<vmem>>) target(%dma_start3A_186 : memref<64x32x128xf32, #tpu.memory_space<hbm>>) target_semaphore(%arg4 : memref<!tpu.dma_semaphore, #tpu.memory_space<semaphore_mem>>)
    %dma_start3A_191 = arith.constant 320 : i32
    %dma_start3A_192 = arith.constant 0 : i32
    %dma_start3A_193 = arith.constant 0 : i32
    %dma_start3A_194 = tpu.memref_slice %arg2[%dma_start3A_191, %dma_start3A_192, %dma_start3A_193] : memref<4096x32x128xf32, #tpu.memory_space<hbm>> -> memref<64x32x128xf32, #tpu.memory_space<hbm>>
    %dma_start3A_195 = arith.constant 64 : i32
    %dma_start3A_196 = arith.constant 30 : i32
    %dma_start3A_197 = arith.constant 0 : i32
    %dma_start3A_198 = tpu.memref_slice %arg3[%dma_start3A_195, %dma_start3A_196, %dma_start3A_197] : memref<128x64x128xf32, #tpu.memory_space<vmem>> -> memref<64x32x128xf32, #tpu.memory_space<vmem>>
    tpu.enqueue_dma source(%dma_start3A_198 : memref<64x32x128xf32, #tpu.memory_space<vmem>>) target(%dma_start3A_194 : memref<64x32x128xf32, #tpu.memory_space<hbm>>) target_semaphore(%arg4 : memref<!tpu.dma_semaphore, #tpu.memory_space<semaphore_mem>>)
    %dma_start3A_199 = arith.constant 384 : i32
    %dma_start3A_200 = arith.constant 0 : i32
    %dma_start3A_201 = arith.constant 0 : i32
    %dma_start3A_202 = tpu.memref_slice %arg2[%dma_start3A_199, %dma_start3A_200, %dma_start3A_201] : memref<4096x32x128xf32, #tpu.memory_space<hbm>> -> memref<64x32x128xf32, #tpu.memory_space<hbm>>
    %dma_start3A_203 = arith.constant 0 : i32
    %dma_start3A_204 = arith.constant 29 : i32
    %dma_start3A_205 = arith.constant 0 : i32
    %dma_start3A_206 = tpu.memref_slice %arg3[%dma_start3A_203, %dma_start3A_204, %dma_start3A_205] : memref<128x64x128xf32, #tpu.memory_space<vmem>> -> memref<64x32x128xf32, #tpu.memory_space<vmem>>
    tpu.enqueue_dma source(%dma_start3A_206 : memref<64x32x128xf32, #tpu.memory_space<vmem>>) target(%dma_start3A_202 : memref<64x32x128xf32, #tpu.memory_space<hbm>>) target_semaphore(%arg4 : memref<!tpu.dma_semaphore, #tpu.memory_space<semaphore_mem>>)
    %dma_start3A_207 = arith.constant 448 : i32
    %dma_start3A_208 = arith.constant 0 : i32
    %dma_start3A_209 = arith.constant 0 : i32
    %dma_start3A_210 = tpu.memref_slice %arg2[%dma_start3A_207, %dma_start3A_208, %dma_start3A_209] : memref<4096x32x128xf32, #tpu.memory_space<hbm>> -> memref<64x32x128xf32, #tpu.memory_space<hbm>>
    %dma_start3A_211 = arith.constant 64 : i32
    %dma_start3A_212 = arith.constant 29 : i32
    %dma_start3A_213 = arith.constant 0 : i32
    %dma_start3A_214 = tpu.memref_slice %arg3[%dma_start3A_211, %dma_start3A_212, %dma_start3A_213] : memref<128x64x128xf32, #tpu.memory_space<vmem>> -> memref<64x32x128xf32, #tpu.memory_space<vmem>>
    tpu.enqueue_dma source(%dma_start3A_214 : memref<64x32x128xf32, #tpu.memory_space<vmem>>) target(%dma_start3A_210 : memref<64x32x128xf32, #tpu.memory_space<hbm>>) target_semaphore(%arg4 : memref<!tpu.dma_semaphore, #tpu.memory_space<semaphore_mem>>)
    %dma_start3A_215 = arith.constant 512 : i32
    %dma_start3A_216 = arith.constant 0 : i32
    %dma_start3A_217 = arith.constant 0 : i32
    %dma_start3A_218 = tpu.memref_slice %arg2[%dma_start3A_215, %dma_start3A_216, %dma_start3A_217] : memref<4096x32x128xf32, #tpu.memory_space<hbm>> -> memref<64x32x128xf32, #tpu.memory_space<hbm>>
    %dma_start3A_219 = arith.constant 0 : i32
    %dma_start3A_220 = arith.constant 28 : i32
    %dma_start3A_221 = arith.constant 0 : i32
    %dma_start3A_222 = tpu.memref_slice %arg3[%dma_start3A_219, %dma_start3A_220, %dma_start3A_221] : memref<128x64x128xf32, #tpu.memory_space<vmem>> -> memref<64x32x128xf32, #tpu.memory_space<vmem>>
    tpu.enqueue_dma source(%dma_start3A_222 : memref<64x32x128xf32, #tpu.memory_space<vmem>>) target(%dma_start3A_218 : memref<64x32x128xf32, #tpu.memory_space<hbm>>) target_semaphore(%arg4 : memref<!tpu.dma_semaphore, #tpu.memory_space<semaphore_mem>>)
    %dma_start3A_223 = arith.constant 576 : i32
    %dma_start3A_224 = arith.constant 0 : i32
    %dma_start3A_225 = arith.constant 0 : i32
    %dma_start3A_226 = tpu.memref_slice %arg2[%dma_start3A_223, %dma_start3A_224, %dma_start3A_225] : memref<4096x32x128xf32, #tpu.memory_space<hbm>> -> memref<64x32x128xf32, #tpu.memory_space<hbm>>
    %dma_start3A_227 = arith.constant 64 : i32
    %dma_start3A_228 = arith.constant 28 : i32
    %dma_start3A_229 = arith.constant 0 : i32
    %dma_start3A_230 = tpu.memref_slice %arg3[%dma_start3A_227, %dma_start3A_228, %dma_start3A_229] : memref<128x64x128xf32, #tpu.memory_space<vmem>> -> memref<64x32x128xf32, #tpu.memory_space<vmem>>
    tpu.enqueue_dma source(%dma_start3A_230 : memref<64x32x128xf32, #tpu.memory_space<vmem>>) target(%dma_start3A_226 : memref<64x32x128xf32, #tpu.memory_space<hbm>>) target_semaphore(%arg4 : memref<!tpu.dma_semaphore, #tpu.memory_space<semaphore_mem>>)
    %dma_start3A_231 = arith.constant 640 : i32
    %dma_start3A_232 = arith.constant 0 : i32
    %dma_start3A_233 = arith.constant 0 : i32
    %dma_start3A_234 = tpu.memref_slice %arg2[%dma_start3A_231, %dma_start3A_232, %dma_start3A_233] : memref<4096x32x128xf32, #tpu.memory_space<hbm>> -> memref<64x32x128xf32, #tpu.memory_space<hbm>>
    %dma_start3A_235 = arith.constant 0 : i32
    %dma_start3A_236 = arith.constant 27 : i32
    %dma_start3A_237 = arith.constant 0 : i32
    %dma_start3A_238 = tpu.memref_slice %arg3[%dma_start3A_235, %dma_start3A_236, %dma_start3A_237] : memref<128x64x128xf32, #tpu.memory_space<vmem>> -> memref<64x32x128xf32, #tpu.memory_space<vmem>>
    tpu.enqueue_dma source(%dma_start3A_238 : memref<64x32x128xf32, #tpu.memory_space<vmem>>) target(%dma_start3A_234 : memref<64x32x128xf32, #tpu.memory_space<hbm>>) target_semaphore(%arg4 : memref<!tpu.dma_semaphore, #tpu.memory_space<semaphore_mem>>)
    %dma_start3A_239 = arith.constant 704 : i32
    %dma_start3A_240 = arith.constant 0 : i32
    %dma_start3A_241 = arith.constant 0 : i32
    %dma_start3A_242 = tpu.memref_slice %arg2[%dma_start3A_239, %dma_start3A_240, %dma_start3A_241] : memref<4096x32x128xf32, #tpu.memory_space<hbm>> -> memref<64x32x128xf32, #tpu.memory_space<hbm>>
    %dma_start3A_243 = arith.constant 64 : i32
    %dma_start3A_244 = arith.constant 27 : i32
    %dma_start3A_245 = arith.constant 0 : i32
    %dma_start3A_246 = tpu.memref_slice %arg3[%dma_start3A_243, %dma_start3A_244, %dma_start3A_245] : memref<128x64x128xf32, #tpu.memory_space<vmem>> -> memref<64x32x128xf32, #tpu.memory_space<vmem>>
    tpu.enqueue_dma source(%dma_start3A_246 : memref<64x32x128xf32, #tpu.memory_space<vmem>>) target(%dma_start3A_242 : memref<64x32x128xf32, #tpu.memory_space<hbm>>) target_semaphore(%arg4 : memref<!tpu.dma_semaphore, #tpu.memory_space<semaphore_mem>>)
    %dma_start3A_247 = arith.constant 768 : i32
    %dma_start3A_248 = arith.constant 0 : i32
    %dma_start3A_249 = arith.constant 0 : i32
    %dma_start3A_250 = tpu.memref_slice %arg2[%dma_start3A_247, %dma_start3A_248, %dma_start3A_249] : memref<4096x32x128xf32, #tpu.memory_space<hbm>> -> memref<64x32x128xf32, #tpu.memory_space<hbm>>
    %dma_start3A_251 = arith.constant 0 : i32
    %dma_start3A_252 = arith.constant 26 : i32
    %dma_start3A_253 = arith.constant 0 : i32
    %dma_start3A_254 = tpu.memref_slice %arg3[%dma_start3A_251, %dma_start3A_252, %dma_start3A_253] : memref<128x64x128xf32, #tpu.memory_space<vmem>> -> memref<64x32x128xf32, #tpu.memory_space<vmem>>
    tpu.enqueue_dma source(%dma_start3A_254 : memref<64x32x128xf32, #tpu.memory_space<vmem>>) target(%dma_start3A_250 : memref<64x32x128xf32, #tpu.memory_space<hbm>>) target_semaphore(%arg4 : memref<!tpu.dma_semaphore, #tpu.memory_space<semaphore_mem>>)
    %dma_start3A_255 = arith.constant 832 : i32
    %dma_start3A_256 = arith.constant 0 : i32
    %dma_start3A_257 = arith.constant 0 : i32
    %dma_start3A_258 = tpu.memref_slice %arg2[%dma_start3A_255, %dma_start3A_256, %dma_start3A_257] : memref<4096x32x128xf32, #tpu.memory_space<hbm>> -> memref<64x32x128xf32, #tpu.memory_space<hbm>>
    %dma_start3A_259 = arith.constant 64 : i32
    %dma_start3A_260 = arith.constant 26 : i32
    %dma_start3A_261 = arith.constant 0 : i32
    %dma_start3A_262 = tpu.memref_slice %arg3[%dma_start3A_259, %dma_start3A_260, %dma_start3A_261] : memref<128x64x128xf32, #tpu.memory_space<vmem>> -> memref<64x32x128xf32, #tpu.memory_space<vmem>>
    tpu.enqueue_dma source(%dma_start3A_262 : memref<64x32x128xf32, #tpu.memory_space<vmem>>) target(%dma_start3A_258 : memref<64x32x128xf32, #tpu.memory_space<hbm>>) target_semaphore(%arg4 : memref<!tpu.dma_semaphore, #tpu.memory_space<semaphore_mem>>)
    %dma_start3A_263 = arith.constant 896 : i32
    %dma_start3A_264 = arith.constant 0 : i32
    %dma_start3A_265 = arith.constant 0 : i32
    %dma_start3A_266 = tpu.memref_slice %arg2[%dma_start3A_263, %dma_start3A_264, %dma_start3A_265] : memref<4096x32x128xf32, #tpu.memory_space<hbm>> -> memref<64x32x128xf32, #tpu.memory_space<hbm>>
    %dma_start3A_267 = arith.constant 0 : i32
    %dma_start3A_268 = arith.constant 25 : i32
    %dma_start3A_269 = arith.constant 0 : i32
    %dma_start3A_270 = tpu.memref_slice %arg3[%dma_start3A_267, %dma_start3A_268, %dma_start3A_269] : memref<128x64x128xf32, #tpu.memory_space<vmem>> -> memref<64x32x128xf32, #tpu.memory_space<vmem>>
    tpu.enqueue_dma source(%dma_start3A_270 : memref<64x32x128xf32, #tpu.memory_space<vmem>>) target(%dma_start3A_266 : memref<64x32x128xf32, #tpu.memory_space<hbm>>) target_semaphore(%arg4 : memref<!tpu.dma_semaphore, #tpu.memory_space<semaphore_mem>>)
    %dma_start3A_271 = arith.constant 960 : i32
    %dma_start3A_272 = arith.constant 0 : i32
    %dma_start3A_273 = arith.constant 0 : i32
    %dma_start3A_274 = tpu.memref_slice %arg2[%dma_start3A_271, %dma_start3A_272, %dma_start3A_273] : memref<4096x32x128xf32, #tpu.memory_space<hbm>> -> memref<64x32x128xf32, #tpu.memory_space<hbm>>
    %dma_start3A_275 = arith.constant 64 : i32
    %dma_start3A_276 = arith.constant 25 : i32
    %dma_start3A_277 = arith.constant 0 : i32
    %dma_start3A_278 = tpu.memref_slice %arg3[%dma_start3A_275, %dma_start3A_276, %dma_start3A_277] : memref<128x64x128xf32, #tpu.memory_space<vmem>> -> memref<64x32x128xf32, #tpu.memory_space<vmem>>
    tpu.enqueue_dma source(%dma_start3A_278 : memref<64x32x128xf32, #tpu.memory_space<vmem>>) target(%dma_start3A_274 : memref<64x32x128xf32, #tpu.memory_space<hbm>>) target_semaphore(%arg4 : memref<!tpu.dma_semaphore, #tpu.memory_space<semaphore_mem>>)
    %dma_start3A_279 = arith.constant 1024 : i32
    %dma_start3A_280 = arith.constant 0 : i32
    %dma_start3A_281 = arith.constant 0 : i32
    %dma_start3A_282 = tpu.memref_slice %arg2[%dma_start3A_279, %dma_start3A_280, %dma_start3A_281] : memref<4096x32x128xf32, #tpu.memory_space<hbm>> -> memref<64x32x128xf32, #tpu.memory_space<hbm>>
    %dma_start3A_283 = arith.constant 0 : i32
    %dma_start3A_284 = arith.constant 24 : i32
    %dma_start3A_285 = arith.constant 0 : i32
    %dma_start3A_286 = tpu.memref_slice %arg3[%dma_start3A_283, %dma_start3A_284, %dma_start3A_285] : memref<128x64x128xf32, #tpu.memory_space<vmem>> -> memref<64x32x128xf32, #tpu.memory_space<vmem>>
    tpu.enqueue_dma source(%dma_start3A_286 : memref<64x32x128xf32, #tpu.memory_space<vmem>>) target(%dma_start3A_282 : memref<64x32x128xf32, #tpu.memory_space<hbm>>) target_semaphore(%arg4 : memref<!tpu.dma_semaphore, #tpu.memory_space<semaphore_mem>>)
    %dma_start3A_287 = arith.constant 1088 : i32
    %dma_start3A_288 = arith.constant 0 : i32
    %dma_start3A_289 = arith.constant 0 : i32
    %dma_start3A_290 = tpu.memref_slice %arg2[%dma_start3A_287, %dma_start3A_288, %dma_start3A_289] : memref<4096x32x128xf32, #tpu.memory_space<hbm>> -> memref<64x32x128xf32, #tpu.memory_space<hbm>>
    %dma_start3A_291 = arith.constant 64 : i32
    %dma_start3A_292 = arith.constant 24 : i32
    %dma_start3A_293 = arith.constant 0 : i32
    %dma_start3A_294 = tpu.memref_slice %arg3[%dma_start3A_291, %dma_start3A_292, %dma_start3A_293] : memref<128x64x128xf32, #tpu.memory_space<vmem>> -> memref<64x32x128xf32, #tpu.memory_space<vmem>>
    tpu.enqueue_dma source(%dma_start3A_294 : memref<64x32x128xf32, #tpu.memory_space<vmem>>) target(%dma_start3A_290 : memref<64x32x128xf32, #tpu.memory_space<hbm>>) target_semaphore(%arg4 : memref<!tpu.dma_semaphore, #tpu.memory_space<semaphore_mem>>)
    %dma_start3A_295 = arith.constant 1152 : i32
    %dma_start3A_296 = arith.constant 0 : i32
    %dma_start3A_297 = arith.constant 0 : i32
    %dma_start3A_298 = tpu.memref_slice %arg2[%dma_start3A_295, %dma_start3A_296, %dma_start3A_297] : memref<4096x32x128xf32, #tpu.memory_space<hbm>> -> memref<64x32x128xf32, #tpu.memory_space<hbm>>
    %dma_start3A_299 = arith.constant 0 : i32
    %dma_start3A_300 = arith.constant 23 : i32
    %dma_start3A_301 = arith.constant 0 : i32
    %dma_start3A_302 = tpu.memref_slice %arg3[%dma_start3A_299, %dma_start3A_300, %dma_start3A_301] : memref<128x64x128xf32, #tpu.memory_space<vmem>> -> memref<64x32x128xf32, #tpu.memory_space<vmem>>
    tpu.enqueue_dma source(%dma_start3A_302 : memref<64x32x128xf32, #tpu.memory_space<vmem>>) target(%dma_start3A_298 : memref<64x32x128xf32, #tpu.memory_space<hbm>>) target_semaphore(%arg4 : memref<!tpu.dma_semaphore, #tpu.memory_space<semaphore_mem>>)
    %dma_start3A_303 = arith.constant 1216 : i32
    %dma_start3A_304 = arith.constant 0 : i32
    %dma_start3A_305 = arith.constant 0 : i32
    %dma_start3A_306 = tpu.memref_slice %arg2[%dma_start3A_303, %dma_start3A_304, %dma_start3A_305] : memref<4096x32x128xf32, #tpu.memory_space<hbm>> -> memref<64x32x128xf32, #tpu.memory_space<hbm>>
    %dma_start3A_307 = arith.constant 64 : i32
    %dma_start3A_308 = arith.constant 23 : i32
    %dma_start3A_309 = arith.constant 0 : i32
    %dma_start3A_310 = tpu.memref_slice %arg3[%dma_start3A_307, %dma_start3A_308, %dma_start3A_309] : memref<128x64x128xf32, #tpu.memory_space<vmem>> -> memref<64x32x128xf32, #tpu.memory_space<vmem>>
    tpu.enqueue_dma source(%dma_start3A_310 : memref<64x32x128xf32, #tpu.memory_space<vmem>>) target(%dma_start3A_306 : memref<64x32x128xf32, #tpu.memory_space<hbm>>) target_semaphore(%arg4 : memref<!tpu.dma_semaphore, #tpu.memory_space<semaphore_mem>>)
    %dma_start3A_311 = arith.constant 1280 : i32
    %dma_start3A_312 = arith.constant 0 : i32
    %dma_start3A_313 = arith.constant 0 : i32
    %dma_start3A_314 = tpu.memref_slice %arg2[%dma_start3A_311, %dma_start3A_312, %dma_start3A_313] : memref<4096x32x128xf32, #tpu.memory_space<hbm>> -> memref<64x32x128xf32, #tpu.memory_space<hbm>>
    %dma_start3A_315 = arith.constant 0 : i32
    %dma_start3A_316 = arith.constant 22 : i32
    %dma_start3A_317 = arith.constant 0 : i32
    %dma_start3A_318 = tpu.memref_slice %arg3[%dma_start3A_315, %dma_start3A_316, %dma_start3A_317] : memref<128x64x128xf32, #tpu.memory_space<vmem>> -> memref<64x32x128xf32, #tpu.memory_space<vmem>>
    tpu.enqueue_dma source(%dma_start3A_318 : memref<64x32x128xf32, #tpu.memory_space<vmem>>) target(%dma_start3A_314 : memref<64x32x128xf32, #tpu.memory_space<hbm>>) target_semaphore(%arg4 : memref<!tpu.dma_semaphore, #tpu.memory_space<semaphore_mem>>)
    %dma_start3A_319 = arith.constant 1344 : i32
    %dma_start3A_320 = arith.constant 0 : i32
    %dma_start3A_321 = arith.constant 0 : i32
    %dma_start3A_322 = tpu.memref_slice %arg2[%dma_start3A_319, %dma_start3A_320, %dma_start3A_321] : memref<4096x32x128xf32, #tpu.memory_space<hbm>> -> memref<64x32x128xf32, #tpu.memory_space<hbm>>
    %dma_start3A_323 = arith.constant 64 : i32
    %dma_start3A_324 = arith.constant 22 : i32
    %dma_start3A_325 = arith.constant 0 : i32
    %dma_start3A_326 = tpu.memref_slice %arg3[%dma_start3A_323, %dma_start3A_324, %dma_start3A_325] : memref<128x64x128xf32, #tpu.memory_space<vmem>> -> memref<64x32x128xf32, #tpu.memory_space<vmem>>
    tpu.enqueue_dma source(%dma_start3A_326 : memref<64x32x128xf32, #tpu.memory_space<vmem>>) target(%dma_start3A_322 : memref<64x32x128xf32, #tpu.memory_space<hbm>>) target_semaphore(%arg4 : memref<!tpu.dma_semaphore, #tpu.memory_space<semaphore_mem>>)
    %dma_start3A_327 = arith.constant 1408 : i32
    %dma_start3A_328 = arith.constant 0 : i32
    %dma_start3A_329 = arith.constant 0 : i32
    %dma_start3A_330 = tpu.memref_slice %arg2[%dma_start3A_327, %dma_start3A_328, %dma_start3A_329] : memref<4096x32x128xf32, #tpu.memory_space<hbm>> -> memref<64x32x128xf32, #tpu.memory_space<hbm>>
    %dma_start3A_331 = arith.constant 0 : i32
    %dma_start3A_332 = arith.constant 21 : i32
    %dma_start3A_333 = arith.constant 0 : i32
    %dma_start3A_334 = tpu.memref_slice %arg3[%dma_start3A_331, %dma_start3A_332, %dma_start3A_333] : memref<128x64x128xf32, #tpu.memory_space<vmem>> -> memref<64x32x128xf32, #tpu.memory_space<vmem>>
    tpu.enqueue_dma source(%dma_start3A_334 : memref<64x32x128xf32, #tpu.memory_space<vmem>>) target(%dma_start3A_330 : memref<64x32x128xf32, #tpu.memory_space<hbm>>) target_semaphore(%arg4 : memref<!tpu.dma_semaphore, #tpu.memory_space<semaphore_mem>>)
    %dma_start3A_335 = arith.constant 1472 : i32
    %dma_start3A_336 = arith.constant 0 : i32
    %dma_start3A_337 = arith.constant 0 : i32
    %dma_start3A_338 = tpu.memref_slice %arg2[%dma_start3A_335, %dma_start3A_336, %dma_start3A_337] : memref<4096x32x128xf32, #tpu.memory_space<hbm>> -> memref<64x32x128xf32, #tpu.memory_space<hbm>>
    %dma_start3A_339 = arith.constant 64 : i32
    %dma_start3A_340 = arith.constant 21 : i32
    %dma_start3A_341 = arith.constant 0 : i32
    %dma_start3A_342 = tpu.memref_slice %arg3[%dma_start3A_339, %dma_start3A_340, %dma_start3A_341] : memref<128x64x128xf32, #tpu.memory_space<vmem>> -> memref<64x32x128xf32, #tpu.memory_space<vmem>>
    tpu.enqueue_dma source(%dma_start3A_342 : memref<64x32x128xf32, #tpu.memory_space<vmem>>) target(%dma_start3A_338 : memref<64x32x128xf32, #tpu.memory_space<hbm>>) target_semaphore(%arg4 : memref<!tpu.dma_semaphore, #tpu.memory_space<semaphore_mem>>)
    %dma_start3A_343 = arith.constant 1536 : i32
    %dma_start3A_344 = arith.constant 0 : i32
    %dma_start3A_345 = arith.constant 0 : i32
    %dma_start3A_346 = tpu.memref_slice %arg2[%dma_start3A_343, %dma_start3A_344, %dma_start3A_345] : memref<4096x32x128xf32, #tpu.memory_space<hbm>> -> memref<64x32x128xf32, #tpu.memory_space<hbm>>
    %dma_start3A_347 = arith.constant 0 : i32
    %dma_start3A_348 = arith.constant 20 : i32
    %dma_start3A_349 = arith.constant 0 : i32
    %dma_start3A_350 = tpu.memref_slice %arg3[%dma_start3A_347, %dma_start3A_348, %dma_start3A_349] : memref<128x64x128xf32, #tpu.memory_space<vmem>> -> memref<64x32x128xf32, #tpu.memory_space<vmem>>
    tpu.enqueue_dma source(%dma_start3A_350 : memref<64x32x128xf32, #tpu.memory_space<vmem>>) target(%dma_start3A_346 : memref<64x32x128xf32, #tpu.memory_space<hbm>>) target_semaphore(%arg4 : memref<!tpu.dma_semaphore, #tpu.memory_space<semaphore_mem>>)
    %dma_start3A_351 = arith.constant 1600 : i32
    %dma_start3A_352 = arith.constant 0 : i32
    %dma_start3A_353 = arith.constant 0 : i32
    %dma_start3A_354 = tpu.memref_slice %arg2[%dma_start3A_351, %dma_start3A_352, %dma_start3A_353] : memref<4096x32x128xf32, #tpu.memory_space<hbm>> -> memref<64x32x128xf32, #tpu.memory_space<hbm>>
    %dma_start3A_355 = arith.constant 64 : i32
    %dma_start3A_356 = arith.constant 20 : i32
    %dma_start3A_357 = arith.constant 0 : i32
    %dma_start3A_358 = tpu.memref_slice %arg3[%dma_start3A_355, %dma_start3A_356, %dma_start3A_357] : memref<128x64x128xf32, #tpu.memory_space<vmem>> -> memref<64x32x128xf32, #tpu.memory_space<vmem>>
    tpu.enqueue_dma source(%dma_start3A_358 : memref<64x32x128xf32, #tpu.memory_space<vmem>>) target(%dma_start3A_354 : memref<64x32x128xf32, #tpu.memory_space<hbm>>) target_semaphore(%arg4 : memref<!tpu.dma_semaphore, #tpu.memory_space<semaphore_mem>>)
    %dma_start3A_359 = arith.constant 1664 : i32
    %dma_start3A_360 = arith.constant 0 : i32
    %dma_start3A_361 = arith.constant 0 : i32
    %dma_start3A_362 = tpu.memref_slice %arg2[%dma_start3A_359, %dma_start3A_360, %dma_start3A_361] : memref<4096x32x128xf32, #tpu.memory_space<hbm>> -> memref<64x32x128xf32, #tpu.memory_space<hbm>>
    %dma_start3A_363 = arith.constant 0 : i32
    %dma_start3A_364 = arith.constant 19 : i32
    %dma_start3A_365 = arith.constant 0 : i32
    %dma_start3A_366 = tpu.memref_slice %arg3[%dma_start3A_363, %dma_start3A_364, %dma_start3A_365] : memref<128x64x128xf32, #tpu.memory_space<vmem>> -> memref<64x32x128xf32, #tpu.memory_space<vmem>>
    tpu.enqueue_dma source(%dma_start3A_366 : memref<64x32x128xf32, #tpu.memory_space<vmem>>) target(%dma_start3A_362 : memref<64x32x128xf32, #tpu.memory_space<hbm>>) target_semaphore(%arg4 : memref<!tpu.dma_semaphore, #tpu.memory_space<semaphore_mem>>)
    %dma_start3A_367 = arith.constant 1728 : i32
    %dma_start3A_368 = arith.constant 0 : i32
    %dma_start3A_369 = arith.constant 0 : i32
    %dma_start3A_370 = tpu.memref_slice %arg2[%dma_start3A_367, %dma_start3A_368, %dma_start3A_369] : memref<4096x32x128xf32, #tpu.memory_space<hbm>> -> memref<64x32x128xf32, #tpu.memory_space<hbm>>
    %dma_start3A_371 = arith.constant 64 : i32
    %dma_start3A_372 = arith.constant 19 : i32
    %dma_start3A_373 = arith.constant 0 : i32
    %dma_start3A_374 = tpu.memref_slice %arg3[%dma_start3A_371, %dma_start3A_372, %dma_start3A_373] : memref<128x64x128xf32, #tpu.memory_space<vmem>> -> memref<64x32x128xf32, #tpu.memory_space<vmem>>
    tpu.enqueue_dma source(%dma_start3A_374 : memref<64x32x128xf32, #tpu.memory_space<vmem>>) target(%dma_start3A_370 : memref<64x32x128xf32, #tpu.memory_space<hbm>>) target_semaphore(%arg4 : memref<!tpu.dma_semaphore, #tpu.memory_space<semaphore_mem>>)
    %dma_start3A_375 = arith.constant 1792 : i32
    %dma_start3A_376 = arith.constant 0 : i32
    %dma_start3A_377 = arith.constant 0 : i32
    %dma_start3A_378 = tpu.memref_slice %arg2[%dma_start3A_375, %dma_start3A_376, %dma_start3A_377] : memref<4096x32x128xf32, #tpu.memory_space<hbm>> -> memref<64x32x128xf32, #tpu.memory_space<hbm>>
    %dma_start3A_379 = arith.constant 0 : i32
    %dma_start3A_380 = arith.constant 18 : i32
    %dma_start3A_381 = arith.constant 0 : i32
    %dma_start3A_382 = tpu.memref_slice %arg3[%dma_start3A_379, %dma_start3A_380, %dma_start3A_381] : memref<128x64x128xf32, #tpu.memory_space<vmem>> -> memref<64x32x128xf32, #tpu.memory_space<vmem>>
    tpu.enqueue_dma source(%dma_start3A_382 : memref<64x32x128xf32, #tpu.memory_space<vmem>>) target(%dma_start3A_378 : memref<64x32x128xf32, #tpu.memory_space<hbm>>) target_semaphore(%arg4 : memref<!tpu.dma_semaphore, #tpu.memory_space<semaphore_mem>>)
    %dma_start3A_383 = arith.constant 1856 : i32
    %dma_start3A_384 = arith.constant 0 : i32
    %dma_start3A_385 = arith.constant 0 : i32
    %dma_start3A_386 = tpu.memref_slice %arg2[%dma_start3A_383, %dma_start3A_384, %dma_start3A_385] : memref<4096x32x128xf32, #tpu.memory_space<hbm>> -> memref<64x32x128xf32, #tpu.memory_space<hbm>>
    %dma_start3A_387 = arith.constant 64 : i32
    %dma_start3A_388 = arith.constant 18 : i32
    %dma_start3A_389 = arith.constant 0 : i32
    %dma_start3A_390 = tpu.memref_slice %arg3[%dma_start3A_387, %dma_start3A_388, %dma_start3A_389] : memref<128x64x128xf32, #tpu.memory_space<vmem>> -> memref<64x32x128xf32, #tpu.memory_space<vmem>>
    tpu.enqueue_dma source(%dma_start3A_390 : memref<64x32x128xf32, #tpu.memory_space<vmem>>) target(%dma_start3A_386 : memref<64x32x128xf32, #tpu.memory_space<hbm>>) target_semaphore(%arg4 : memref<!tpu.dma_semaphore, #tpu.memory_space<semaphore_mem>>)
    %dma_start3A_391 = arith.constant 1920 : i32
    %dma_start3A_392 = arith.constant 0 : i32
    %dma_start3A_393 = arith.constant 0 : i32
    %dma_start3A_394 = tpu.memref_slice %arg2[%dma_start3A_391, %dma_start3A_392, %dma_start3A_393] : memref<4096x32x128xf32, #tpu.memory_space<hbm>> -> memref<64x32x128xf32, #tpu.memory_space<hbm>>
    %dma_start3A_395 = arith.constant 0 : i32
    %dma_start3A_396 = arith.constant 17 : i32
    %dma_start3A_397 = arith.constant 0 : i32
    %dma_start3A_398 = tpu.memref_slice %arg3[%dma_start3A_395, %dma_start3A_396, %dma_start3A_397] : memref<128x64x128xf32, #tpu.memory_space<vmem>> -> memref<64x32x128xf32, #tpu.memory_space<vmem>>
    tpu.enqueue_dma source(%dma_start3A_398 : memref<64x32x128xf32, #tpu.memory_space<vmem>>) target(%dma_start3A_394 : memref<64x32x128xf32, #tpu.memory_space<hbm>>) target_semaphore(%arg4 : memref<!tpu.dma_semaphore, #tpu.memory_space<semaphore_mem>>)
    %dma_start3A_399 = arith.constant 1984 : i32
    %dma_start3A_400 = arith.constant 0 : i32
    %dma_start3A_401 = arith.constant 0 : i32
    %dma_start3A_402 = tpu.memref_slice %arg2[%dma_start3A_399, %dma_start3A_400, %dma_start3A_401] : memref<4096x32x128xf32, #tpu.memory_space<hbm>> -> memref<64x32x128xf32, #tpu.memory_space<hbm>>
    %dma_start3A_403 = arith.constant 64 : i32
    %dma_start3A_404 = arith.constant 17 : i32
    %dma_start3A_405 = arith.constant 0 : i32
    %dma_start3A_406 = tpu.memref_slice %arg3[%dma_start3A_403, %dma_start3A_404, %dma_start3A_405] : memref<128x64x128xf32, #tpu.memory_space<vmem>> -> memref<64x32x128xf32, #tpu.memory_space<vmem>>
    tpu.enqueue_dma source(%dma_start3A_406 : memref<64x32x128xf32, #tpu.memory_space<vmem>>) target(%dma_start3A_402 : memref<64x32x128xf32, #tpu.memory_space<hbm>>) target_semaphore(%arg4 : memref<!tpu.dma_semaphore, #tpu.memory_space<semaphore_mem>>)
    %dma_start3A_407 = arith.constant 2048 : i32
    %dma_start3A_408 = arith.constant 0 : i32
    %dma_start3A_409 = arith.constant 0 : i32
    %dma_start3A_410 = tpu.memref_slice %arg2[%dma_start3A_407, %dma_start3A_408, %dma_start3A_409] : memref<4096x32x128xf32, #tpu.memory_space<hbm>> -> memref<64x32x128xf32, #tpu.memory_space<hbm>>
    %dma_start3A_411 = arith.constant 0 : i32
    %dma_start3A_412 = arith.constant 16 : i32
    %dma_start3A_413 = arith.constant 0 : i32
    %dma_start3A_414 = tpu.memref_slice %arg3[%dma_start3A_411, %dma_start3A_412, %dma_start3A_413] : memref<128x64x128xf32, #tpu.memory_space<vmem>> -> memref<64x32x128xf32, #tpu.memory_space<vmem>>
    tpu.enqueue_dma source(%dma_start3A_414 : memref<64x32x128xf32, #tpu.memory_space<vmem>>) target(%dma_start3A_410 : memref<64x32x128xf32, #tpu.memory_space<hbm>>) target_semaphore(%arg4 : memref<!tpu.dma_semaphore, #tpu.memory_space<semaphore_mem>>)
    %dma_start3A_415 = arith.constant 2112 : i32
    %dma_start3A_416 = arith.constant 0 : i32
    %dma_start3A_417 = arith.constant 0 : i32
    %dma_start3A_418 = tpu.memref_slice %arg2[%dma_start3A_415, %dma_start3A_416, %dma_start3A_417] : memref<4096x32x128xf32, #tpu.memory_space<hbm>> -> memref<64x32x128xf32, #tpu.memory_space<hbm>>
    %dma_start3A_419 = arith.constant 64 : i32
    %dma_start3A_420 = arith.constant 16 : i32
    %dma_start3A_421 = arith.constant 0 : i32
    %dma_start3A_422 = tpu.memref_slice %arg3[%dma_start3A_419, %dma_start3A_420, %dma_start3A_421] : memref<128x64x128xf32, #tpu.memory_space<vmem>> -> memref<64x32x128xf32, #tpu.memory_space<vmem>>
    tpu.enqueue_dma source(%dma_start3A_422 : memref<64x32x128xf32, #tpu.memory_space<vmem>>) target(%dma_start3A_418 : memref<64x32x128xf32, #tpu.memory_space<hbm>>) target_semaphore(%arg4 : memref<!tpu.dma_semaphore, #tpu.memory_space<semaphore_mem>>)
    %dma_start3A_423 = arith.constant 2176 : i32
    %dma_start3A_424 = arith.constant 0 : i32
    %dma_start3A_425 = arith.constant 0 : i32
    %dma_start3A_426 = tpu.memref_slice %arg2[%dma_start3A_423, %dma_start3A_424, %dma_start3A_425] : memref<4096x32x128xf32, #tpu.memory_space<hbm>> -> memref<64x32x128xf32, #tpu.memory_space<hbm>>
    %dma_start3A_427 = arith.constant 0 : i32
    %dma_start3A_428 = arith.constant 15 : i32
    %dma_start3A_429 = arith.constant 0 : i32
    %dma_start3A_430 = tpu.memref_slice %arg3[%dma_start3A_427, %dma_start3A_428, %dma_start3A_429] : memref<128x64x128xf32, #tpu.memory_space<vmem>> -> memref<64x32x128xf32, #tpu.memory_space<vmem>>
    tpu.enqueue_dma source(%dma_start3A_430 : memref<64x32x128xf32, #tpu.memory_space<vmem>>) target(%dma_start3A_426 : memref<64x32x128xf32, #tpu.memory_space<hbm>>) target_semaphore(%arg4 : memref<!tpu.dma_semaphore, #tpu.memory_space<semaphore_mem>>)
    %dma_start3A_431 = arith.constant 2240 : i32
    %dma_start3A_432 = arith.constant 0 : i32
    %dma_start3A_433 = arith.constant 0 : i32
    %dma_start3A_434 = tpu.memref_slice %arg2[%dma_start3A_431, %dma_start3A_432, %dma_start3A_433] : memref<4096x32x128xf32, #tpu.memory_space<hbm>> -> memref<64x32x128xf32, #tpu.memory_space<hbm>>
    %dma_start3A_435 = arith.constant 64 : i32
    %dma_start3A_436 = arith.constant 15 : i32
    %dma_start3A_437 = arith.constant 0 : i32
    %dma_start3A_438 = tpu.memref_slice %arg3[%dma_start3A_435, %dma_start3A_436, %dma_start3A_437] : memref<128x64x128xf32, #tpu.memory_space<vmem>> -> memref<64x32x128xf32, #tpu.memory_space<vmem>>
    tpu.enqueue_dma source(%dma_start3A_438 : memref<64x32x128xf32, #tpu.memory_space<vmem>>) target(%dma_start3A_434 : memref<64x32x128xf32, #tpu.memory_space<hbm>>) target_semaphore(%arg4 : memref<!tpu.dma_semaphore, #tpu.memory_space<semaphore_mem>>)
    %dma_start3A_439 = arith.constant 2304 : i32
    %dma_start3A_440 = arith.constant 0 : i32
    %dma_start3A_441 = arith.constant 0 : i32
    %dma_start3A_442 = tpu.memref_slice %arg2[%dma_start3A_439, %dma_start3A_440, %dma_start3A_441] : memref<4096x32x128xf32, #tpu.memory_space<hbm>> -> memref<64x32x128xf32, #tpu.memory_space<hbm>>
    %dma_start3A_443 = arith.constant 0 : i32
    %dma_start3A_444 = arith.constant 14 : i32
    %dma_start3A_445 = arith.constant 0 : i32
    %dma_start3A_446 = tpu.memref_slice %arg3[%dma_start3A_443, %dma_start3A_444, %dma_start3A_445] : memref<128x64x128xf32, #tpu.memory_space<vmem>> -> memref<64x32x128xf32, #tpu.memory_space<vmem>>
    tpu.enqueue_dma source(%dma_start3A_446 : memref<64x32x128xf32, #tpu.memory_space<vmem>>) target(%dma_start3A_442 : memref<64x32x128xf32, #tpu.memory_space<hbm>>) target_semaphore(%arg4 : memref<!tpu.dma_semaphore, #tpu.memory_space<semaphore_mem>>)
    %dma_start3A_447 = arith.constant 2368 : i32
    %dma_start3A_448 = arith.constant 0 : i32
    %dma_start3A_449 = arith.constant 0 : i32
    %dma_start3A_450 = tpu.memref_slice %arg2[%dma_start3A_447, %dma_start3A_448, %dma_start3A_449] : memref<4096x32x128xf32, #tpu.memory_space<hbm>> -> memref<64x32x128xf32, #tpu.memory_space<hbm>>
    %dma_start3A_451 = arith.constant 64 : i32
    %dma_start3A_452 = arith.constant 14 : i32
    %dma_start3A_453 = arith.constant 0 : i32
    %dma_start3A_454 = tpu.memref_slice %arg3[%dma_start3A_451, %dma_start3A_452, %dma_start3A_453] : memref<128x64x128xf32, #tpu.memory_space<vmem>> -> memref<64x32x128xf32, #tpu.memory_space<vmem>>
    tpu.enqueue_dma source(%dma_start3A_454 : memref<64x32x128xf32, #tpu.memory_space<vmem>>) target(%dma_start3A_450 : memref<64x32x128xf32, #tpu.memory_space<hbm>>) target_semaphore(%arg4 : memref<!tpu.dma_semaphore, #tpu.memory_space<semaphore_mem>>)
    %dma_start3A_455 = arith.constant 2432 : i32
    %dma_start3A_456 = arith.constant 0 : i32
    %dma_start3A_457 = arith.constant 0 : i32
    %dma_start3A_458 = tpu.memref_slice %arg2[%dma_start3A_455, %dma_start3A_456, %dma_start3A_457] : memref<4096x32x128xf32, #tpu.memory_space<hbm>> -> memref<64x32x128xf32, #tpu.memory_space<hbm>>
    %dma_start3A_459 = arith.constant 0 : i32
    %dma_start3A_460 = arith.constant 13 : i32
    %dma_start3A_461 = arith.constant 0 : i32
    %dma_start3A_462 = tpu.memref_slice %arg3[%dma_start3A_459, %dma_start3A_460, %dma_start3A_461] : memref<128x64x128xf32, #tpu.memory_space<vmem>> -> memref<64x32x128xf32, #tpu.memory_space<vmem>>
    tpu.enqueue_dma source(%dma_start3A_462 : memref<64x32x128xf32, #tpu.memory_space<vmem>>) target(%dma_start3A_458 : memref<64x32x128xf32, #tpu.memory_space<hbm>>) target_semaphore(%arg4 : memref<!tpu.dma_semaphore, #tpu.memory_space<semaphore_mem>>)
    %dma_start3A_463 = arith.constant 2496 : i32
    %dma_start3A_464 = arith.constant 0 : i32
    %dma_start3A_465 = arith.constant 0 : i32
    %dma_start3A_466 = tpu.memref_slice %arg2[%dma_start3A_463, %dma_start3A_464, %dma_start3A_465] : memref<4096x32x128xf32, #tpu.memory_space<hbm>> -> memref<64x32x128xf32, #tpu.memory_space<hbm>>
    %dma_start3A_467 = arith.constant 64 : i32
    %dma_start3A_468 = arith.constant 13 : i32
    %dma_start3A_469 = arith.constant 0 : i32
    %dma_start3A_470 = tpu.memref_slice %arg3[%dma_start3A_467, %dma_start3A_468, %dma_start3A_469] : memref<128x64x128xf32, #tpu.memory_space<vmem>> -> memref<64x32x128xf32, #tpu.memory_space<vmem>>
    tpu.enqueue_dma source(%dma_start3A_470 : memref<64x32x128xf32, #tpu.memory_space<vmem>>) target(%dma_start3A_466 : memref<64x32x128xf32, #tpu.memory_space<hbm>>) target_semaphore(%arg4 : memref<!tpu.dma_semaphore, #tpu.memory_space<semaphore_mem>>)
    %dma_start3A_471 = arith.constant 2560 : i32
    %dma_start3A_472 = arith.constant 0 : i32
    %dma_start3A_473 = arith.constant 0 : i32
    %dma_start3A_474 = tpu.memref_slice %arg2[%dma_start3A_471, %dma_start3A_472, %dma_start3A_473] : memref<4096x32x128xf32, #tpu.memory_space<hbm>> -> memref<64x32x128xf32, #tpu.memory_space<hbm>>
    %dma_start3A_475 = arith.constant 0 : i32
    %dma_start3A_476 = arith.constant 12 : i32
    %dma_start3A_477 = arith.constant 0 : i32
    %dma_start3A_478 = tpu.memref_slice %arg3[%dma_start3A_475, %dma_start3A_476, %dma_start3A_477] : memref<128x64x128xf32, #tpu.memory_space<vmem>> -> memref<64x32x128xf32, #tpu.memory_space<vmem>>
    tpu.enqueue_dma source(%dma_start3A_478 : memref<64x32x128xf32, #tpu.memory_space<vmem>>) target(%dma_start3A_474 : memref<64x32x128xf32, #tpu.memory_space<hbm>>) target_semaphore(%arg4 : memref<!tpu.dma_semaphore, #tpu.memory_space<semaphore_mem>>)
    %dma_start3A_479 = arith.constant 2624 : i32
    %dma_start3A_480 = arith.constant 0 : i32
    %dma_start3A_481 = arith.constant 0 : i32
    %dma_start3A_482 = tpu.memref_slice %arg2[%dma_start3A_479, %dma_start3A_480, %dma_start3A_481] : memref<4096x32x128xf32, #tpu.memory_space<hbm>> -> memref<64x32x128xf32, #tpu.memory_space<hbm>>
    %dma_start3A_483 = arith.constant 64 : i32
    %dma_start3A_484 = arith.constant 12 : i32
    %dma_start3A_485 = arith.constant 0 : i32
    %dma_start3A_486 = tpu.memref_slice %arg3[%dma_start3A_483, %dma_start3A_484, %dma_start3A_485] : memref<128x64x128xf32, #tpu.memory_space<vmem>> -> memref<64x32x128xf32, #tpu.memory_space<vmem>>
    tpu.enqueue_dma source(%dma_start3A_486 : memref<64x32x128xf32, #tpu.memory_space<vmem>>) target(%dma_start3A_482 : memref<64x32x128xf32, #tpu.memory_space<hbm>>) target_semaphore(%arg4 : memref<!tpu.dma_semaphore, #tpu.memory_space<semaphore_mem>>)
    %dma_start3A_487 = arith.constant 2688 : i32
    %dma_start3A_488 = arith.constant 0 : i32
    %dma_start3A_489 = arith.constant 0 : i32
    %dma_start3A_490 = tpu.memref_slice %arg2[%dma_start3A_487, %dma_start3A_488, %dma_start3A_489] : memref<4096x32x128xf32, #tpu.memory_space<hbm>> -> memref<64x32x128xf32, #tpu.memory_space<hbm>>
    %dma_start3A_491 = arith.constant 0 : i32
    %dma_start3A_492 = arith.constant 11 : i32
    %dma_start3A_493 = arith.constant 0 : i32
    %dma_start3A_494 = tpu.memref_slice %arg3[%dma_start3A_491, %dma_start3A_492, %dma_start3A_493] : memref<128x64x128xf32, #tpu.memory_space<vmem>> -> memref<64x32x128xf32, #tpu.memory_space<vmem>>
    tpu.enqueue_dma source(%dma_start3A_494 : memref<64x32x128xf32, #tpu.memory_space<vmem>>) target(%dma_start3A_490 : memref<64x32x128xf32, #tpu.memory_space<hbm>>) target_semaphore(%arg4 : memref<!tpu.dma_semaphore, #tpu.memory_space<semaphore_mem>>)
    %dma_start3A_495 = arith.constant 2752 : i32
    %dma_start3A_496 = arith.constant 0 : i32
    %dma_start3A_497 = arith.constant 0 : i32
    %dma_start3A_498 = tpu.memref_slice %arg2[%dma_start3A_495, %dma_start3A_496, %dma_start3A_497] : memref<4096x32x128xf32, #tpu.memory_space<hbm>> -> memref<64x32x128xf32, #tpu.memory_space<hbm>>
    %dma_start3A_499 = arith.constant 64 : i32
    %dma_start3A_500 = arith.constant 11 : i32
    %dma_start3A_501 = arith.constant 0 : i32
    %dma_start3A_502 = tpu.memref_slice %arg3[%dma_start3A_499, %dma_start3A_500, %dma_start3A_501] : memref<128x64x128xf32, #tpu.memory_space<vmem>> -> memref<64x32x128xf32, #tpu.memory_space<vmem>>
    tpu.enqueue_dma source(%dma_start3A_502 : memref<64x32x128xf32, #tpu.memory_space<vmem>>) target(%dma_start3A_498 : memref<64x32x128xf32, #tpu.memory_space<hbm>>) target_semaphore(%arg4 : memref<!tpu.dma_semaphore, #tpu.memory_space<semaphore_mem>>)
    %dma_start3A_503 = arith.constant 2816 : i32
    %dma_start3A_504 = arith.constant 0 : i32
    %dma_start3A_505 = arith.constant 0 : i32
    %dma_start3A_506 = tpu.memref_slice %arg2[%dma_start3A_503, %dma_start3A_504, %dma_start3A_505] : memref<4096x32x128xf32, #tpu.memory_space<hbm>> -> memref<64x32x128xf32, #tpu.memory_space<hbm>>
    %dma_start3A_507 = arith.constant 0 : i32
    %dma_start3A_508 = arith.constant 10 : i32
    %dma_start3A_509 = arith.constant 0 : i32
    %dma_start3A_510 = tpu.memref_slice %arg3[%dma_start3A_507, %dma_start3A_508, %dma_start3A_509] : memref<128x64x128xf32, #tpu.memory_space<vmem>> -> memref<64x32x128xf32, #tpu.memory_space<vmem>>
    tpu.enqueue_dma source(%dma_start3A_510 : memref<64x32x128xf32, #tpu.memory_space<vmem>>) target(%dma_start3A_506 : memref<64x32x128xf32, #tpu.memory_space<hbm>>) target_semaphore(%arg4 : memref<!tpu.dma_semaphore, #tpu.memory_space<semaphore_mem>>)
    %dma_start3A_511 = arith.constant 2880 : i32
    %dma_start3A_512 = arith.constant 0 : i32
    %dma_start3A_513 = arith.constant 0 : i32
    %dma_start3A_514 = tpu.memref_slice %arg2[%dma_start3A_511, %dma_start3A_512, %dma_start3A_513] : memref<4096x32x128xf32, #tpu.memory_space<hbm>> -> memref<64x32x128xf32, #tpu.memory_space<hbm>>
    %dma_start3A_515 = arith.constant 64 : i32
    %dma_start3A_516 = arith.constant 10 : i32
    %dma_start3A_517 = arith.constant 0 : i32
    %dma_start3A_518 = tpu.memref_slice %arg3[%dma_start3A_515, %dma_start3A_516, %dma_start3A_517] : memref<128x64x128xf32, #tpu.memory_space<vmem>> -> memref<64x32x128xf32, #tpu.memory_space<vmem>>
    tpu.enqueue_dma source(%dma_start3A_518 : memref<64x32x128xf32, #tpu.memory_space<vmem>>) target(%dma_start3A_514 : memref<64x32x128xf32, #tpu.memory_space<hbm>>) target_semaphore(%arg4 : memref<!tpu.dma_semaphore, #tpu.memory_space<semaphore_mem>>)
    %dma_start3A_519 = arith.constant 2944 : i32
    %dma_start3A_520 = arith.constant 0 : i32
    %dma_start3A_521 = arith.constant 0 : i32
    %dma_start3A_522 = tpu.memref_slice %arg2[%dma_start3A_519, %dma_start3A_520, %dma_start3A_521] : memref<4096x32x128xf32, #tpu.memory_space<hbm>> -> memref<64x32x128xf32, #tpu.memory_space<hbm>>
    %dma_start3A_523 = arith.constant 0 : i32
    %dma_start3A_524 = arith.constant 9 : i32
    %dma_start3A_525 = arith.constant 0 : i32
    %dma_start3A_526 = tpu.memref_slice %arg3[%dma_start3A_523, %dma_start3A_524, %dma_start3A_525] : memref<128x64x128xf32, #tpu.memory_space<vmem>> -> memref<64x32x128xf32, #tpu.memory_space<vmem>>
    tpu.enqueue_dma source(%dma_start3A_526 : memref<64x32x128xf32, #tpu.memory_space<vmem>>) target(%dma_start3A_522 : memref<64x32x128xf32, #tpu.memory_space<hbm>>) target_semaphore(%arg4 : memref<!tpu.dma_semaphore, #tpu.memory_space<semaphore_mem>>)
    %dma_start3A_527 = arith.constant 3008 : i32
    %dma_start3A_528 = arith.constant 0 : i32
    %dma_start3A_529 = arith.constant 0 : i32
    %dma_start3A_530 = tpu.memref_slice %arg2[%dma_start3A_527, %dma_start3A_528, %dma_start3A_529] : memref<4096x32x128xf32, #tpu.memory_space<hbm>> -> memref<64x32x128xf32, #tpu.memory_space<hbm>>
    %dma_start3A_531 = arith.constant 64 : i32
    %dma_start3A_532 = arith.constant 9 : i32
    %dma_start3A_533 = arith.constant 0 : i32
    %dma_start3A_534 = tpu.memref_slice %arg3[%dma_start3A_531, %dma_start3A_532, %dma_start3A_533] : memref<128x64x128xf32, #tpu.memory_space<vmem>> -> memref<64x32x128xf32, #tpu.memory_space<vmem>>
    tpu.enqueue_dma source(%dma_start3A_534 : memref<64x32x128xf32, #tpu.memory_space<vmem>>) target(%dma_start3A_530 : memref<64x32x128xf32, #tpu.memory_space<hbm>>) target_semaphore(%arg4 : memref<!tpu.dma_semaphore, #tpu.memory_space<semaphore_mem>>)
    %dma_start3A_535 = arith.constant 3072 : i32
    %dma_start3A_536 = arith.constant 0 : i32
    %dma_start3A_537 = arith.constant 0 : i32
    %dma_start3A_538 = tpu.memref_slice %arg2[%dma_start3A_535, %dma_start3A_536, %dma_start3A_537] : memref<4096x32x128xf32, #tpu.memory_space<hbm>> -> memref<64x32x128xf32, #tpu.memory_space<hbm>>
    %dma_start3A_539 = arith.constant 0 : i32
    %dma_start3A_540 = arith.constant 8 : i32
    %dma_start3A_541 = arith.constant 0 : i32
    %dma_start3A_542 = tpu.memref_slice %arg3[%dma_start3A_539, %dma_start3A_540, %dma_start3A_541] : memref<128x64x128xf32, #tpu.memory_space<vmem>> -> memref<64x32x128xf32, #tpu.memory_space<vmem>>
    tpu.enqueue_dma source(%dma_start3A_542 : memref<64x32x128xf32, #tpu.memory_space<vmem>>) target(%dma_start3A_538 : memref<64x32x128xf32, #tpu.memory_space<hbm>>) target_semaphore(%arg4 : memref<!tpu.dma_semaphore, #tpu.memory_space<semaphore_mem>>)
    %dma_start3A_543 = arith.constant 3136 : i32
    %dma_start3A_544 = arith.constant 0 : i32
    %dma_start3A_545 = arith.constant 0 : i32
    %dma_start3A_546 = tpu.memref_slice %arg2[%dma_start3A_543, %dma_start3A_544, %dma_start3A_545] : memref<4096x32x128xf32, #tpu.memory_space<hbm>> -> memref<64x32x128xf32, #tpu.memory_space<hbm>>
    %dma_start3A_547 = arith.constant 64 : i32
    %dma_start3A_548 = arith.constant 8 : i32
    %dma_start3A_549 = arith.constant 0 : i32
    %dma_start3A_550 = tpu.memref_slice %arg3[%dma_start3A_547, %dma_start3A_548, %dma_start3A_549] : memref<128x64x128xf32, #tpu.memory_space<vmem>> -> memref<64x32x128xf32, #tpu.memory_space<vmem>>
    tpu.enqueue_dma source(%dma_start3A_550 : memref<64x32x128xf32, #tpu.memory_space<vmem>>) target(%dma_start3A_546 : memref<64x32x128xf32, #tpu.memory_space<hbm>>) target_semaphore(%arg4 : memref<!tpu.dma_semaphore, #tpu.memory_space<semaphore_mem>>)
    %dma_start3A_551 = arith.constant 3200 : i32
    %dma_start3A_552 = arith.constant 0 : i32
    %dma_start3A_553 = arith.constant 0 : i32
    %dma_start3A_554 = tpu.memref_slice %arg2[%dma_start3A_551, %dma_start3A_552, %dma_start3A_553] : memref<4096x32x128xf32, #tpu.memory_space<hbm>> -> memref<64x32x128xf32, #tpu.memory_space<hbm>>
    %dma_start3A_555 = arith.constant 0 : i32
    %dma_start3A_556 = arith.constant 7 : i32
    %dma_start3A_557 = arith.constant 0 : i32
    %dma_start3A_558 = tpu.memref_slice %arg3[%dma_start3A_555, %dma_start3A_556, %dma_start3A_557] : memref<128x64x128xf32, #tpu.memory_space<vmem>> -> memref<64x32x128xf32, #tpu.memory_space<vmem>>
    tpu.enqueue_dma source(%dma_start3A_558 : memref<64x32x128xf32, #tpu.memory_space<vmem>>) target(%dma_start3A_554 : memref<64x32x128xf32, #tpu.memory_space<hbm>>) target_semaphore(%arg4 : memref<!tpu.dma_semaphore, #tpu.memory_space<semaphore_mem>>)
    %dma_start3A_559 = arith.constant 3264 : i32
    %dma_start3A_560 = arith.constant 0 : i32
    %dma_start3A_561 = arith.constant 0 : i32
    %dma_start3A_562 = tpu.memref_slice %arg2[%dma_start3A_559, %dma_start3A_560, %dma_start3A_561] : memref<4096x32x128xf32, #tpu.memory_space<hbm>> -> memref<64x32x128xf32, #tpu.memory_space<hbm>>
    %dma_start3A_563 = arith.constant 64 : i32
    %dma_start3A_564 = arith.constant 7 : i32
    %dma_start3A_565 = arith.constant 0 : i32
    %dma_start3A_566 = tpu.memref_slice %arg3[%dma_start3A_563, %dma_start3A_564, %dma_start3A_565] : memref<128x64x128xf32, #tpu.memory_space<vmem>> -> memref<64x32x128xf32, #tpu.memory_space<vmem>>
    tpu.enqueue_dma source(%dma_start3A_566 : memref<64x32x128xf32, #tpu.memory_space<vmem>>) target(%dma_start3A_562 : memref<64x32x128xf32, #tpu.memory_space<hbm>>) target_semaphore(%arg4 : memref<!tpu.dma_semaphore, #tpu.memory_space<semaphore_mem>>)
    %dma_start3A_567 = arith.constant 3328 : i32
    %dma_start3A_568 = arith.constant 0 : i32
    %dma_start3A_569 = arith.constant 0 : i32
    %dma_start3A_570 = tpu.memref_slice %arg2[%dma_start3A_567, %dma_start3A_568, %dma_start3A_569] : memref<4096x32x128xf32, #tpu.memory_space<hbm>> -> memref<64x32x128xf32, #tpu.memory_space<hbm>>
    %dma_start3A_571 = arith.constant 0 : i32
    %dma_start3A_572 = arith.constant 6 : i32
    %dma_start3A_573 = arith.constant 0 : i32
    %dma_start3A_574 = tpu.memref_slice %arg3[%dma_start3A_571, %dma_start3A_572, %dma_start3A_573] : memref<128x64x128xf32, #tpu.memory_space<vmem>> -> memref<64x32x128xf32, #tpu.memory_space<vmem>>
    tpu.enqueue_dma source(%dma_start3A_574 : memref<64x32x128xf32, #tpu.memory_space<vmem>>) target(%dma_start3A_570 : memref<64x32x128xf32, #tpu.memory_space<hbm>>) target_semaphore(%arg4 : memref<!tpu.dma_semaphore, #tpu.memory_space<semaphore_mem>>)
    %dma_start3A_575 = arith.constant 3392 : i32
    %dma_start3A_576 = arith.constant 0 : i32
    %dma_start3A_577 = arith.constant 0 : i32
    %dma_start3A_578 = tpu.memref_slice %arg2[%dma_start3A_575, %dma_start3A_576, %dma_start3A_577] : memref<4096x32x128xf32, #tpu.memory_space<hbm>> -> memref<64x32x128xf32, #tpu.memory_space<hbm>>
    %dma_start3A_579 = arith.constant 64 : i32
    %dma_start3A_580 = arith.constant 6 : i32
    %dma_start3A_581 = arith.constant 0 : i32
    %dma_start3A_582 = tpu.memref_slice %arg3[%dma_start3A_579, %dma_start3A_580, %dma_start3A_581] : memref<128x64x128xf32, #tpu.memory_space<vmem>> -> memref<64x32x128xf32, #tpu.memory_space<vmem>>
    tpu.enqueue_dma source(%dma_start3A_582 : memref<64x32x128xf32, #tpu.memory_space<vmem>>) target(%dma_start3A_578 : memref<64x32x128xf32, #tpu.memory_space<hbm>>) target_semaphore(%arg4 : memref<!tpu.dma_semaphore, #tpu.memory_space<semaphore_mem>>)
    %dma_start3A_583 = arith.constant 3456 : i32
    %dma_start3A_584 = arith.constant 0 : i32
    %dma_start3A_585 = arith.constant 0 : i32
    %dma_start3A_586 = tpu.memref_slice %arg2[%dma_start3A_583, %dma_start3A_584, %dma_start3A_585] : memref<4096x32x128xf32, #tpu.memory_space<hbm>> -> memref<64x32x128xf32, #tpu.memory_space<hbm>>
    %dma_start3A_587 = arith.constant 0 : i32
    %dma_start3A_588 = arith.constant 5 : i32
    %dma_start3A_589 = arith.constant 0 : i32
    %dma_start3A_590 = tpu.memref_slice %arg3[%dma_start3A_587, %dma_start3A_588, %dma_start3A_589] : memref<128x64x128xf32, #tpu.memory_space<vmem>> -> memref<64x32x128xf32, #tpu.memory_space<vmem>>
    tpu.enqueue_dma source(%dma_start3A_590 : memref<64x32x128xf32, #tpu.memory_space<vmem>>) target(%dma_start3A_586 : memref<64x32x128xf32, #tpu.memory_space<hbm>>) target_semaphore(%arg4 : memref<!tpu.dma_semaphore, #tpu.memory_space<semaphore_mem>>)
    %dma_start3A_591 = arith.constant 3520 : i32
    %dma_start3A_592 = arith.constant 0 : i32
    %dma_start3A_593 = arith.constant 0 : i32
    %dma_start3A_594 = tpu.memref_slice %arg2[%dma_start3A_591, %dma_start3A_592, %dma_start3A_593] : memref<4096x32x128xf32, #tpu.memory_space<hbm>> -> memref<64x32x128xf32, #tpu.memory_space<hbm>>
    %dma_start3A_595 = arith.constant 64 : i32
    %dma_start3A_596 = arith.constant 5 : i32
    %dma_start3A_597 = arith.constant 0 : i32
    %dma_start3A_598 = tpu.memref_slice %arg3[%dma_start3A_595, %dma_start3A_596, %dma_start3A_597] : memref<128x64x128xf32, #tpu.memory_space<vmem>> -> memref<64x32x128xf32, #tpu.memory_space<vmem>>
    tpu.enqueue_dma source(%dma_start3A_598 : memref<64x32x128xf32, #tpu.memory_space<vmem>>) target(%dma_start3A_594 : memref<64x32x128xf32, #tpu.memory_space<hbm>>) target_semaphore(%arg4 : memref<!tpu.dma_semaphore, #tpu.memory_space<semaphore_mem>>)
    %dma_start3A_599 = arith.constant 3584 : i32
    %dma_start3A_600 = arith.constant 0 : i32
    %dma_start3A_601 = arith.constant 0 : i32
    %dma_start3A_602 = tpu.memref_slice %arg2[%dma_start3A_599, %dma_start3A_600, %dma_start3A_601] : memref<4096x32x128xf32, #tpu.memory_space<hbm>> -> memref<64x32x128xf32, #tpu.memory_space<hbm>>
    %dma_start3A_603 = arith.constant 0 : i32
    %dma_start3A_604 = arith.constant 4 : i32
    %dma_start3A_605 = arith.constant 0 : i32
    %dma_start3A_606 = tpu.memref_slice %arg3[%dma_start3A_603, %dma_start3A_604, %dma_start3A_605] : memref<128x64x128xf32, #tpu.memory_space<vmem>> -> memref<64x32x128xf32, #tpu.memory_space<vmem>>
    tpu.enqueue_dma source(%dma_start3A_606 : memref<64x32x128xf32, #tpu.memory_space<vmem>>) target(%dma_start3A_602 : memref<64x32x128xf32, #tpu.memory_space<hbm>>) target_semaphore(%arg4 : memref<!tpu.dma_semaphore, #tpu.memory_space<semaphore_mem>>)
    %dma_start3A_607 = arith.constant 3648 : i32
    %dma_start3A_608 = arith.constant 0 : i32
    %dma_start3A_609 = arith.constant 0 : i32
    %dma_start3A_610 = tpu.memref_slice %arg2[%dma_start3A_607, %dma_start3A_608, %dma_start3A_609] : memref<4096x32x128xf32, #tpu.memory_space<hbm>> -> memref<64x32x128xf32, #tpu.memory_space<hbm>>
    %dma_start3A_611 = arith.constant 64 : i32
    %dma_start3A_612 = arith.constant 4 : i32
    %dma_start3A_613 = arith.constant 0 : i32
    %dma_start3A_614 = tpu.memref_slice %arg3[%dma_start3A_611, %dma_start3A_612, %dma_start3A_613] : memref<128x64x128xf32, #tpu.memory_space<vmem>> -> memref<64x32x128xf32, #tpu.memory_space<vmem>>
    tpu.enqueue_dma source(%dma_start3A_614 : memref<64x32x128xf32, #tpu.memory_space<vmem>>) target(%dma_start3A_610 : memref<64x32x128xf32, #tpu.memory_space<hbm>>) target_semaphore(%arg4 : memref<!tpu.dma_semaphore, #tpu.memory_space<semaphore_mem>>)
    %dma_start3A_615 = arith.constant 3712 : i32
    %dma_start3A_616 = arith.constant 0 : i32
    %dma_start3A_617 = arith.constant 0 : i32
    %dma_start3A_618 = tpu.memref_slice %arg2[%dma_start3A_615, %dma_start3A_616, %dma_start3A_617] : memref<4096x32x128xf32, #tpu.memory_space<hbm>> -> memref<64x32x128xf32, #tpu.memory_space<hbm>>
    %dma_start3A_619 = arith.constant 0 : i32
    %dma_start3A_620 = arith.constant 3 : i32
    %dma_start3A_621 = arith.constant 0 : i32
    %dma_start3A_622 = tpu.memref_slice %arg3[%dma_start3A_619, %dma_start3A_620, %dma_start3A_621] : memref<128x64x128xf32, #tpu.memory_space<vmem>> -> memref<64x32x128xf32, #tpu.memory_space<vmem>>
    tpu.enqueue_dma source(%dma_start3A_622 : memref<64x32x128xf32, #tpu.memory_space<vmem>>) target(%dma_start3A_618 : memref<64x32x128xf32, #tpu.memory_space<hbm>>) target_semaphore(%arg4 : memref<!tpu.dma_semaphore, #tpu.memory_space<semaphore_mem>>)
    %dma_start3A_623 = arith.constant 3776 : i32
    %dma_start3A_624 = arith.constant 0 : i32
    %dma_start3A_625 = arith.constant 0 : i32
    %dma_start3A_626 = tpu.memref_slice %arg2[%dma_start3A_623, %dma_start3A_624, %dma_start3A_625] : memref<4096x32x128xf32, #tpu.memory_space<hbm>> -> memref<64x32x128xf32, #tpu.memory_space<hbm>>
    %dma_start3A_627 = arith.constant 64 : i32
    %dma_start3A_628 = arith.constant 3 : i32
    %dma_start3A_629 = arith.constant 0 : i32
    %dma_start3A_630 = tpu.memref_slice %arg3[%dma_start3A_627, %dma_start3A_628, %dma_start3A_629] : memref<128x64x128xf32, #tpu.memory_space<vmem>> -> memref<64x32x128xf32, #tpu.memory_space<vmem>>
    tpu.enqueue_dma source(%dma_start3A_630 : memref<64x32x128xf32, #tpu.memory_space<vmem>>) target(%dma_start3A_626 : memref<64x32x128xf32, #tpu.memory_space<hbm>>) target_semaphore(%arg4 : memref<!tpu.dma_semaphore, #tpu.memory_space<semaphore_mem>>)
    %dma_start3A_631 = arith.constant 3840 : i32
    %dma_start3A_632 = arith.constant 0 : i32
    %dma_start3A_633 = arith.constant 0 : i32
    %dma_start3A_634 = tpu.memref_slice %arg2[%dma_start3A_631, %dma_start3A_632, %dma_start3A_633] : memref<4096x32x128xf32, #tpu.memory_space<hbm>> -> memref<64x32x128xf32, #tpu.memory_space<hbm>>
    %dma_start3A_635 = arith.constant 0 : i32
    %dma_start3A_636 = arith.constant 2 : i32
    %dma_start3A_637 = arith.constant 0 : i32
    %dma_start3A_638 = tpu.memref_slice %arg3[%dma_start3A_635, %dma_start3A_636, %dma_start3A_637] : memref<128x64x128xf32, #tpu.memory_space<vmem>> -> memref<64x32x128xf32, #tpu.memory_space<vmem>>
    tpu.enqueue_dma source(%dma_start3A_638 : memref<64x32x128xf32, #tpu.memory_space<vmem>>) target(%dma_start3A_634 : memref<64x32x128xf32, #tpu.memory_space<hbm>>) target_semaphore(%arg4 : memref<!tpu.dma_semaphore, #tpu.memory_space<semaphore_mem>>)
    %dma_start3A_639 = arith.constant 3904 : i32
    %dma_start3A_640 = arith.constant 0 : i32
    %dma_start3A_641 = arith.constant 0 : i32
    %dma_start3A_642 = tpu.memref_slice %arg2[%dma_start3A_639, %dma_start3A_640, %dma_start3A_641] : memref<4096x32x128xf32, #tpu.memory_space<hbm>> -> memref<64x32x128xf32, #tpu.memory_space<hbm>>
    %dma_start3A_643 = arith.constant 64 : i32
    %dma_start3A_644 = arith.constant 2 : i32
    %dma_start3A_645 = arith.constant 0 : i32
    %dma_start3A_646 = tpu.memref_slice %arg3[%dma_start3A_643, %dma_start3A_644, %dma_start3A_645] : memref<128x64x128xf32, #tpu.memory_space<vmem>> -> memref<64x32x128xf32, #tpu.memory_space<vmem>>
    tpu.enqueue_dma source(%dma_start3A_646 : memref<64x32x128xf32, #tpu.memory_space<vmem>>) target(%dma_start3A_642 : memref<64x32x128xf32, #tpu.memory_space<hbm>>) target_semaphore(%arg4 : memref<!tpu.dma_semaphore, #tpu.memory_space<semaphore_mem>>)
    %dma_start3A_647 = arith.constant 3968 : i32
    %dma_start3A_648 = arith.constant 0 : i32
    %dma_start3A_649 = arith.constant 0 : i32
    %dma_start3A_650 = tpu.memref_slice %arg2[%dma_start3A_647, %dma_start3A_648, %dma_start3A_649] : memref<4096x32x128xf32, #tpu.memory_space<hbm>> -> memref<64x32x128xf32, #tpu.memory_space<hbm>>
    %dma_start3A_651 = arith.constant 0 : i32
    %dma_start3A_652 = arith.constant 1 : i32
    %dma_start3A_653 = arith.constant 0 : i32
    %dma_start3A_654 = tpu.memref_slice %arg3[%dma_start3A_651, %dma_start3A_652, %dma_start3A_653] : memref<128x64x128xf32, #tpu.memory_space<vmem>> -> memref<64x32x128xf32, #tpu.memory_space<vmem>>
    tpu.enqueue_dma source(%dma_start3A_654 : memref<64x32x128xf32, #tpu.memory_space<vmem>>) target(%dma_start3A_650 : memref<64x32x128xf32, #tpu.memory_space<hbm>>) target_semaphore(%arg4 : memref<!tpu.dma_semaphore, #tpu.memory_space<semaphore_mem>>)
    %dma_start3A_655 = arith.constant 4032 : i32
    %dma_start3A_656 = arith.constant 0 : i32
    %dma_start3A_657 = arith.constant 0 : i32
    %dma_start3A_658 = tpu.memref_slice %arg2[%dma_start3A_655, %dma_start3A_656, %dma_start3A_657] : memref<4096x32x128xf32, #tpu.memory_space<hbm>> -> memref<64x32x128xf32, #tpu.memory_space<hbm>>
    %dma_start3A_659 = arith.constant 64 : i32
    %dma_start3A_660 = arith.constant 1 : i32
    %dma_start3A_661 = arith.constant 0 : i32
    %dma_start3A_662 = tpu.memref_slice %arg3[%dma_start3A_659, %dma_start3A_660, %dma_start3A_661] : memref<128x64x128xf32, #tpu.memory_space<vmem>> -> memref<64x32x128xf32, #tpu.memory_space<vmem>>
    tpu.enqueue_dma source(%dma_start3A_662 : memref<64x32x128xf32, #tpu.memory_space<vmem>>) target(%dma_start3A_658 : memref<64x32x128xf32, #tpu.memory_space<hbm>>) target_semaphore(%arg4 : memref<!tpu.dma_semaphore, #tpu.memory_space<semaphore_mem>>)
    %dma_wait3A = arith.constant 0 : i32
    %dma_wait3A_663 = arith.constant 0 : i32
    %dma_wait3A_664 = arith.constant 0 : i32
    %dma_wait3A_665 = tpu.memref_slice %arg2[%dma_wait3A, %dma_wait3A_663, %dma_wait3A_664] : memref<4096x32x128xf32, #tpu.memory_space<hbm>> -> memref<64x32x128xf32, #tpu.memory_space<hbm>>
    %dma_wait3A_666 = arith.constant 0 : i32
    %dma_wait3A_667 = arith.constant 32 : i32
    %dma_wait3A_668 = arith.constant 0 : i32
    %dma_wait3A_669 = tpu.memref_slice %arg3[%dma_wait3A_666, %dma_wait3A_667, %dma_wait3A_668] : memref<128x64x128xf32, #tpu.memory_space<vmem>> -> memref<64x32x128xf32, #tpu.memory_space<vmem>>
    tpu.wait_dma2 semaphore(%arg4 : memref<!tpu.dma_semaphore, #tpu.memory_space<semaphore_mem>>) src(%dma_wait3A_669 : memref<64x32x128xf32, #tpu.memory_space<vmem>>) dst(%dma_wait3A_665 : memref<64x32x128xf32, #tpu.memory_space<hbm>>)
    %dma_wait3A_670 = arith.constant 64 : i32
    %dma_wait3A_671 = arith.constant 0 : i32
    %dma_wait3A_672 = arith.constant 0 : i32
    %dma_wait3A_673 = tpu.memref_slice %arg2[%dma_wait3A_670, %dma_wait3A_671, %dma_wait3A_672] : memref<4096x32x128xf32, #tpu.memory_space<hbm>> -> memref<64x32x128xf32, #tpu.memory_space<hbm>>
    %dma_wait3A_674 = arith.constant 64 : i32
    %dma_wait3A_675 = arith.constant 32 : i32
    %dma_wait3A_676 = arith.constant 0 : i32
    %dma_wait3A_677 = tpu.memref_slice %arg3[%dma_wait3A_674, %dma_wait3A_675, %dma_wait3A_676] : memref<128x64x128xf32, #tpu.memory_space<vmem>> -> memref<64x32x128xf32, #tpu.memory_space<vmem>>
    tpu.wait_dma2 semaphore(%arg4 : memref<!tpu.dma_semaphore, #tpu.memory_space<semaphore_mem>>) src(%dma_wait3A_677 : memref<64x32x128xf32, #tpu.memory_space<vmem>>) dst(%dma_wait3A_673 : memref<64x32x128xf32, #tpu.memory_space<hbm>>)
    %dma_wait3A_678 = arith.constant 128 : i32
    %dma_wait3A_679 = arith.constant 0 : i32
    %dma_wait3A_680 = arith.constant 0 : i32
    %dma_wait3A_681 = tpu.memref_slice %arg2[%dma_wait3A_678, %dma_wait3A_679, %dma_wait3A_680] : memref<4096x32x128xf32, #tpu.memory_space<hbm>> -> memref<64x32x128xf32, #tpu.memory_space<hbm>>
    %dma_wait3A_682 = arith.constant 0 : i32
    %dma_wait3A_683 = arith.constant 31 : i32
    %dma_wait3A_684 = arith.constant 0 : i32
    %dma_wait3A_685 = tpu.memref_slice %arg3[%dma_wait3A_682, %dma_wait3A_683, %dma_wait3A_684] : memref<128x64x128xf32, #tpu.memory_space<vmem>> -> memref<64x32x128xf32, #tpu.memory_space<vmem>>
    tpu.wait_dma2 semaphore(%arg4 : memref<!tpu.dma_semaphore, #tpu.memory_space<semaphore_mem>>) src(%dma_wait3A_685 : memref<64x32x128xf32, #tpu.memory_space<vmem>>) dst(%dma_wait3A_681 : memref<64x32x128xf32, #tpu.memory_space<hbm>>)
    %dma_wait3A_686 = arith.constant 192 : i32
    %dma_wait3A_687 = arith.constant 0 : i32
    %dma_wait3A_688 = arith.constant 0 : i32
    %dma_wait3A_689 = tpu.memref_slice %arg2[%dma_wait3A_686, %dma_wait3A_687, %dma_wait3A_688] : memref<4096x32x128xf32, #tpu.memory_space<hbm>> -> memref<64x32x128xf32, #tpu.memory_space<hbm>>
    %dma_wait3A_690 = arith.constant 64 : i32
    %dma_wait3A_691 = arith.constant 31 : i32
    %dma_wait3A_692 = arith.constant 0 : i32
    %dma_wait3A_693 = tpu.memref_slice %arg3[%dma_wait3A_690, %dma_wait3A_691, %dma_wait3A_692] : memref<128x64x128xf32, #tpu.memory_space<vmem>> -> memref<64x32x128xf32, #tpu.memory_space<vmem>>
    tpu.wait_dma2 semaphore(%arg4 : memref<!tpu.dma_semaphore, #tpu.memory_space<semaphore_mem>>) src(%dma_wait3A_693 : memref<64x32x128xf32, #tpu.memory_space<vmem>>) dst(%dma_wait3A_689 : memref<64x32x128xf32, #tpu.memory_space<hbm>>)
    %dma_wait3A_694 = arith.constant 256 : i32
    %dma_wait3A_695 = arith.constant 0 : i32
    %dma_wait3A_696 = arith.constant 0 : i32
    %dma_wait3A_697 = tpu.memref_slice %arg2[%dma_wait3A_694, %dma_wait3A_695, %dma_wait3A_696] : memref<4096x32x128xf32, #tpu.memory_space<hbm>> -> memref<64x32x128xf32, #tpu.memory_space<hbm>>
    %dma_wait3A_698 = arith.constant 0 : i32
    %dma_wait3A_699 = arith.constant 30 : i32
    %dma_wait3A_700 = arith.constant 0 : i32
    %dma_wait3A_701 = tpu.memref_slice %arg3[%dma_wait3A_698, %dma_wait3A_699, %dma_wait3A_700] : memref<128x64x128xf32, #tpu.memory_space<vmem>> -> memref<64x32x128xf32, #tpu.memory_space<vmem>>
    tpu.wait_dma2 semaphore(%arg4 : memref<!tpu.dma_semaphore, #tpu.memory_space<semaphore_mem>>) src(%dma_wait3A_701 : memref<64x32x128xf32, #tpu.memory_space<vmem>>) dst(%dma_wait3A_697 : memref<64x32x128xf32, #tpu.memory_space<hbm>>)
    %dma_wait3A_702 = arith.constant 320 : i32
    %dma_wait3A_703 = arith.constant 0 : i32
    %dma_wait3A_704 = arith.constant 0 : i32
    %dma_wait3A_705 = tpu.memref_slice %arg2[%dma_wait3A_702, %dma_wait3A_703, %dma_wait3A_704] : memref<4096x32x128xf32, #tpu.memory_space<hbm>> -> memref<64x32x128xf32, #tpu.memory_space<hbm>>
    %dma_wait3A_706 = arith.constant 64 : i32
    %dma_wait3A_707 = arith.constant 30 : i32
    %dma_wait3A_708 = arith.constant 0 : i32
    %dma_wait3A_709 = tpu.memref_slice %arg3[%dma_wait3A_706, %dma_wait3A_707, %dma_wait3A_708] : memref<128x64x128xf32, #tpu.memory_space<vmem>> -> memref<64x32x128xf32, #tpu.memory_space<vmem>>
    tpu.wait_dma2 semaphore(%arg4 : memref<!tpu.dma_semaphore, #tpu.memory_space<semaphore_mem>>) src(%dma_wait3A_709 : memref<64x32x128xf32, #tpu.memory_space<vmem>>) dst(%dma_wait3A_705 : memref<64x32x128xf32, #tpu.memory_space<hbm>>)
    %dma_wait3A_710 = arith.constant 384 : i32
    %dma_wait3A_711 = arith.constant 0 : i32
    %dma_wait3A_712 = arith.constant 0 : i32
    %dma_wait3A_713 = tpu.memref_slice %arg2[%dma_wait3A_710, %dma_wait3A_711, %dma_wait3A_712] : memref<4096x32x128xf32, #tpu.memory_space<hbm>> -> memref<64x32x128xf32, #tpu.memory_space<hbm>>
    %dma_wait3A_714 = arith.constant 0 : i32
    %dma_wait3A_715 = arith.constant 29 : i32
    %dma_wait3A_716 = arith.constant 0 : i32
    %dma_wait3A_717 = tpu.memref_slice %arg3[%dma_wait3A_714, %dma_wait3A_715, %dma_wait3A_716] : memref<128x64x128xf32, #tpu.memory_space<vmem>> -> memref<64x32x128xf32, #tpu.memory_space<vmem>>
    tpu.wait_dma2 semaphore(%arg4 : memref<!tpu.dma_semaphore, #tpu.memory_space<semaphore_mem>>) src(%dma_wait3A_717 : memref<64x32x128xf32, #tpu.memory_space<vmem>>) dst(%dma_wait3A_713 : memref<64x32x128xf32, #tpu.memory_space<hbm>>)
    %dma_wait3A_718 = arith.constant 448 : i32
    %dma_wait3A_719 = arith.constant 0 : i32
    %dma_wait3A_720 = arith.constant 0 : i32
    %dma_wait3A_721 = tpu.memref_slice %arg2[%dma_wait3A_718, %dma_wait3A_719, %dma_wait3A_720] : memref<4096x32x128xf32, #tpu.memory_space<hbm>> -> memref<64x32x128xf32, #tpu.memory_space<hbm>>
    %dma_wait3A_722 = arith.constant 64 : i32
    %dma_wait3A_723 = arith.constant 29 : i32
    %dma_wait3A_724 = arith.constant 0 : i32
    %dma_wait3A_725 = tpu.memref_slice %arg3[%dma_wait3A_722, %dma_wait3A_723, %dma_wait3A_724] : memref<128x64x128xf32, #tpu.memory_space<vmem>> -> memref<64x32x128xf32, #tpu.memory_space<vmem>>
    tpu.wait_dma2 semaphore(%arg4 : memref<!tpu.dma_semaphore, #tpu.memory_space<semaphore_mem>>) src(%dma_wait3A_725 : memref<64x32x128xf32, #tpu.memory_space<vmem>>) dst(%dma_wait3A_721 : memref<64x32x128xf32, #tpu.memory_space<hbm>>)
    %dma_wait3A_726 = arith.constant 512 : i32
    %dma_wait3A_727 = arith.constant 0 : i32
    %dma_wait3A_728 = arith.constant 0 : i32
    %dma_wait3A_729 = tpu.memref_slice %arg2[%dma_wait3A_726, %dma_wait3A_727, %dma_wait3A_728] : memref<4096x32x128xf32, #tpu.memory_space<hbm>> -> memref<64x32x128xf32, #tpu.memory_space<hbm>>
    %dma_wait3A_730 = arith.constant 0 : i32
    %dma_wait3A_731 = arith.constant 28 : i32
    %dma_wait3A_732 = arith.constant 0 : i32
    %dma_wait3A_733 = tpu.memref_slice %arg3[%dma_wait3A_730, %dma_wait3A_731, %dma_wait3A_732] : memref<128x64x128xf32, #tpu.memory_space<vmem>> -> memref<64x32x128xf32, #tpu.memory_space<vmem>>
    tpu.wait_dma2 semaphore(%arg4 : memref<!tpu.dma_semaphore, #tpu.memory_space<semaphore_mem>>) src(%dma_wait3A_733 : memref<64x32x128xf32, #tpu.memory_space<vmem>>) dst(%dma_wait3A_729 : memref<64x32x128xf32, #tpu.memory_space<hbm>>)
    %dma_wait3A_734 = arith.constant 576 : i32
    %dma_wait3A_735 = arith.constant 0 : i32
    %dma_wait3A_736 = arith.constant 0 : i32
    %dma_wait3A_737 = tpu.memref_slice %arg2[%dma_wait3A_734, %dma_wait3A_735, %dma_wait3A_736] : memref<4096x32x128xf32, #tpu.memory_space<hbm>> -> memref<64x32x128xf32, #tpu.memory_space<hbm>>
    %dma_wait3A_738 = arith.constant 64 : i32
    %dma_wait3A_739 = arith.constant 28 : i32
    %dma_wait3A_740 = arith.constant 0 : i32
    %dma_wait3A_741 = tpu.memref_slice %arg3[%dma_wait3A_738, %dma_wait3A_739, %dma_wait3A_740] : memref<128x64x128xf32, #tpu.memory_space<vmem>> -> memref<64x32x128xf32, #tpu.memory_space<vmem>>
    tpu.wait_dma2 semaphore(%arg4 : memref<!tpu.dma_semaphore, #tpu.memory_space<semaphore_mem>>) src(%dma_wait3A_741 : memref<64x32x128xf32, #tpu.memory_space<vmem>>) dst(%dma_wait3A_737 : memref<64x32x128xf32, #tpu.memory_space<hbm>>)
    %dma_wait3A_742 = arith.constant 640 : i32
    %dma_wait3A_743 = arith.constant 0 : i32
    %dma_wait3A_744 = arith.constant 0 : i32
    %dma_wait3A_745 = tpu.memref_slice %arg2[%dma_wait3A_742, %dma_wait3A_743, %dma_wait3A_744] : memref<4096x32x128xf32, #tpu.memory_space<hbm>> -> memref<64x32x128xf32, #tpu.memory_space<hbm>>
    %dma_wait3A_746 = arith.constant 0 : i32
    %dma_wait3A_747 = arith.constant 27 : i32
    %dma_wait3A_748 = arith.constant 0 : i32
    %dma_wait3A_749 = tpu.memref_slice %arg3[%dma_wait3A_746, %dma_wait3A_747, %dma_wait3A_748] : memref<128x64x128xf32, #tpu.memory_space<vmem>> -> memref<64x32x128xf32, #tpu.memory_space<vmem>>
    tpu.wait_dma2 semaphore(%arg4 : memref<!tpu.dma_semaphore, #tpu.memory_space<semaphore_mem>>) src(%dma_wait3A_749 : memref<64x32x128xf32, #tpu.memory_space<vmem>>) dst(%dma_wait3A_745 : memref<64x32x128xf32, #tpu.memory_space<hbm>>)
    %dma_wait3A_750 = arith.constant 704 : i32
    %dma_wait3A_751 = arith.constant 0 : i32
    %dma_wait3A_752 = arith.constant 0 : i32
    %dma_wait3A_753 = tpu.memref_slice %arg2[%dma_wait3A_750, %dma_wait3A_751, %dma_wait3A_752] : memref<4096x32x128xf32, #tpu.memory_space<hbm>> -> memref<64x32x128xf32, #tpu.memory_space<hbm>>
    %dma_wait3A_754 = arith.constant 64 : i32
    %dma_wait3A_755 = arith.constant 27 : i32
    %dma_wait3A_756 = arith.constant 0 : i32
    %dma_wait3A_757 = tpu.memref_slice %arg3[%dma_wait3A_754, %dma_wait3A_755, %dma_wait3A_756] : memref<128x64x128xf32, #tpu.memory_space<vmem>> -> memref<64x32x128xf32, #tpu.memory_space<vmem>>
    tpu.wait_dma2 semaphore(%arg4 : memref<!tpu.dma_semaphore, #tpu.memory_space<semaphore_mem>>) src(%dma_wait3A_757 : memref<64x32x128xf32, #tpu.memory_space<vmem>>) dst(%dma_wait3A_753 : memref<64x32x128xf32, #tpu.memory_space<hbm>>)
    %dma_wait3A_758 = arith.constant 768 : i32
    %dma_wait3A_759 = arith.constant 0 : i32
    %dma_wait3A_760 = arith.constant 0 : i32
    %dma_wait3A_761 = tpu.memref_slice %arg2[%dma_wait3A_758, %dma_wait3A_759, %dma_wait3A_760] : memref<4096x32x128xf32, #tpu.memory_space<hbm>> -> memref<64x32x128xf32, #tpu.memory_space<hbm>>
    %dma_wait3A_762 = arith.constant 0 : i32
    %dma_wait3A_763 = arith.constant 26 : i32
    %dma_wait3A_764 = arith.constant 0 : i32
    %dma_wait3A_765 = tpu.memref_slice %arg3[%dma_wait3A_762, %dma_wait3A_763, %dma_wait3A_764] : memref<128x64x128xf32, #tpu.memory_space<vmem>> -> memref<64x32x128xf32, #tpu.memory_space<vmem>>
    tpu.wait_dma2 semaphore(%arg4 : memref<!tpu.dma_semaphore, #tpu.memory_space<semaphore_mem>>) src(%dma_wait3A_765 : memref<64x32x128xf32, #tpu.memory_space<vmem>>) dst(%dma_wait3A_761 : memref<64x32x128xf32, #tpu.memory_space<hbm>>)
    %dma_wait3A_766 = arith.constant 832 : i32
    %dma_wait3A_767 = arith.constant 0 : i32
    %dma_wait3A_768 = arith.constant 0 : i32
    %dma_wait3A_769 = tpu.memref_slice %arg2[%dma_wait3A_766, %dma_wait3A_767, %dma_wait3A_768] : memref<4096x32x128xf32, #tpu.memory_space<hbm>> -> memref<64x32x128xf32, #tpu.memory_space<hbm>>
    %dma_wait3A_770 = arith.constant 64 : i32
    %dma_wait3A_771 = arith.constant 26 : i32
    %dma_wait3A_772 = arith.constant 0 : i32
    %dma_wait3A_773 = tpu.memref_slice %arg3[%dma_wait3A_770, %dma_wait3A_771, %dma_wait3A_772] : memref<128x64x128xf32, #tpu.memory_space<vmem>> -> memref<64x32x128xf32, #tpu.memory_space<vmem>>
    tpu.wait_dma2 semaphore(%arg4 : memref<!tpu.dma_semaphore, #tpu.memory_space<semaphore_mem>>) src(%dma_wait3A_773 : memref<64x32x128xf32, #tpu.memory_space<vmem>>) dst(%dma_wait3A_769 : memref<64x32x128xf32, #tpu.memory_space<hbm>>)
    %dma_wait3A_774 = arith.constant 896 : i32
    %dma_wait3A_775 = arith.constant 0 : i32
    %dma_wait3A_776 = arith.constant 0 : i32
    %dma_wait3A_777 = tpu.memref_slice %arg2[%dma_wait3A_774, %dma_wait3A_775, %dma_wait3A_776] : memref<4096x32x128xf32, #tpu.memory_space<hbm>> -> memref<64x32x128xf32, #tpu.memory_space<hbm>>
    %dma_wait3A_778 = arith.constant 0 : i32
    %dma_wait3A_779 = arith.constant 25 : i32
    %dma_wait3A_780 = arith.constant 0 : i32
    %dma_wait3A_781 = tpu.memref_slice %arg3[%dma_wait3A_778, %dma_wait3A_779, %dma_wait3A_780] : memref<128x64x128xf32, #tpu.memory_space<vmem>> -> memref<64x32x128xf32, #tpu.memory_space<vmem>>
    tpu.wait_dma2 semaphore(%arg4 : memref<!tpu.dma_semaphore, #tpu.memory_space<semaphore_mem>>) src(%dma_wait3A_781 : memref<64x32x128xf32, #tpu.memory_space<vmem>>) dst(%dma_wait3A_777 : memref<64x32x128xf32, #tpu.memory_space<hbm>>)
    %dma_wait3A_782 = arith.constant 960 : i32
    %dma_wait3A_783 = arith.constant 0 : i32
    %dma_wait3A_784 = arith.constant 0 : i32
    %dma_wait3A_785 = tpu.memref_slice %arg2[%dma_wait3A_782, %dma_wait3A_783, %dma_wait3A_784] : memref<4096x32x128xf32, #tpu.memory_space<hbm>> -> memref<64x32x128xf32, #tpu.memory_space<hbm>>
    %dma_wait3A_786 = arith.constant 64 : i32
    %dma_wait3A_787 = arith.constant 25 : i32
    %dma_wait3A_788 = arith.constant 0 : i32
    %dma_wait3A_789 = tpu.memref_slice %arg3[%dma_wait3A_786, %dma_wait3A_787, %dma_wait3A_788] : memref<128x64x128xf32, #tpu.memory_space<vmem>> -> memref<64x32x128xf32, #tpu.memory_space<vmem>>
    tpu.wait_dma2 semaphore(%arg4 : memref<!tpu.dma_semaphore, #tpu.memory_space<semaphore_mem>>) src(%dma_wait3A_789 : memref<64x32x128xf32, #tpu.memory_space<vmem>>) dst(%dma_wait3A_785 : memref<64x32x128xf32, #tpu.memory_space<hbm>>)
    %dma_wait3A_790 = arith.constant 1024 : i32
    %dma_wait3A_791 = arith.constant 0 : i32
    %dma_wait3A_792 = arith.constant 0 : i32
    %dma_wait3A_793 = tpu.memref_slice %arg2[%dma_wait3A_790, %dma_wait3A_791, %dma_wait3A_792] : memref<4096x32x128xf32, #tpu.memory_space<hbm>> -> memref<64x32x128xf32, #tpu.memory_space<hbm>>
    %dma_wait3A_794 = arith.constant 0 : i32
    %dma_wait3A_795 = arith.constant 24 : i32
    %dma_wait3A_796 = arith.constant 0 : i32
    %dma_wait3A_797 = tpu.memref_slice %arg3[%dma_wait3A_794, %dma_wait3A_795, %dma_wait3A_796] : memref<128x64x128xf32, #tpu.memory_space<vmem>> -> memref<64x32x128xf32, #tpu.memory_space<vmem>>
    tpu.wait_dma2 semaphore(%arg4 : memref<!tpu.dma_semaphore, #tpu.memory_space<semaphore_mem>>) src(%dma_wait3A_797 : memref<64x32x128xf32, #tpu.memory_space<vmem>>) dst(%dma_wait3A_793 : memref<64x32x128xf32, #tpu.memory_space<hbm>>)
    %dma_wait3A_798 = arith.constant 1088 : i32
    %dma_wait3A_799 = arith.constant 0 : i32
    %dma_wait3A_800 = arith.constant 0 : i32
    %dma_wait3A_801 = tpu.memref_slice %arg2[%dma_wait3A_798, %dma_wait3A_799, %dma_wait3A_800] : memref<4096x32x128xf32, #tpu.memory_space<hbm>> -> memref<64x32x128xf32, #tpu.memory_space<hbm>>
    %dma_wait3A_802 = arith.constant 64 : i32
    %dma_wait3A_803 = arith.constant 24 : i32
    %dma_wait3A_804 = arith.constant 0 : i32
    %dma_wait3A_805 = tpu.memref_slice %arg3[%dma_wait3A_802, %dma_wait3A_803, %dma_wait3A_804] : memref<128x64x128xf32, #tpu.memory_space<vmem>> -> memref<64x32x128xf32, #tpu.memory_space<vmem>>
    tpu.wait_dma2 semaphore(%arg4 : memref<!tpu.dma_semaphore, #tpu.memory_space<semaphore_mem>>) src(%dma_wait3A_805 : memref<64x32x128xf32, #tpu.memory_space<vmem>>) dst(%dma_wait3A_801 : memref<64x32x128xf32, #tpu.memory_space<hbm>>)
    %dma_wait3A_806 = arith.constant 1152 : i32
    %dma_wait3A_807 = arith.constant 0 : i32
    %dma_wait3A_808 = arith.constant 0 : i32
    %dma_wait3A_809 = tpu.memref_slice %arg2[%dma_wait3A_806, %dma_wait3A_807, %dma_wait3A_808] : memref<4096x32x128xf32, #tpu.memory_space<hbm>> -> memref<64x32x128xf32, #tpu.memory_space<hbm>>
    %dma_wait3A_810 = arith.constant 0 : i32
    %dma_wait3A_811 = arith.constant 23 : i32
    %dma_wait3A_812 = arith.constant 0 : i32
    %dma_wait3A_813 = tpu.memref_slice %arg3[%dma_wait3A_810, %dma_wait3A_811, %dma_wait3A_812] : memref<128x64x128xf32, #tpu.memory_space<vmem>> -> memref<64x32x128xf32, #tpu.memory_space<vmem>>
    tpu.wait_dma2 semaphore(%arg4 : memref<!tpu.dma_semaphore, #tpu.memory_space<semaphore_mem>>) src(%dma_wait3A_813 : memref<64x32x128xf32, #tpu.memory_space<vmem>>) dst(%dma_wait3A_809 : memref<64x32x128xf32, #tpu.memory_space<hbm>>)
    %dma_wait3A_814 = arith.constant 1216 : i32
    %dma_wait3A_815 = arith.constant 0 : i32
    %dma_wait3A_816 = arith.constant 0 : i32
    %dma_wait3A_817 = tpu.memref_slice %arg2[%dma_wait3A_814, %dma_wait3A_815, %dma_wait3A_816] : memref<4096x32x128xf32, #tpu.memory_space<hbm>> -> memref<64x32x128xf32, #tpu.memory_space<hbm>>
    %dma_wait3A_818 = arith.constant 64 : i32
    %dma_wait3A_819 = arith.constant 23 : i32
    %dma_wait3A_820 = arith.constant 0 : i32
    %dma_wait3A_821 = tpu.memref_slice %arg3[%dma_wait3A_818, %dma_wait3A_819, %dma_wait3A_820] : memref<128x64x128xf32, #tpu.memory_space<vmem>> -> memref<64x32x128xf32, #tpu.memory_space<vmem>>
    tpu.wait_dma2 semaphore(%arg4 : memref<!tpu.dma_semaphore, #tpu.memory_space<semaphore_mem>>) src(%dma_wait3A_821 : memref<64x32x128xf32, #tpu.memory_space<vmem>>) dst(%dma_wait3A_817 : memref<64x32x128xf32, #tpu.memory_space<hbm>>)
    %dma_wait3A_822 = arith.constant 1280 : i32
    %dma_wait3A_823 = arith.constant 0 : i32
    %dma_wait3A_824 = arith.constant 0 : i32
    %dma_wait3A_825 = tpu.memref_slice %arg2[%dma_wait3A_822, %dma_wait3A_823, %dma_wait3A_824] : memref<4096x32x128xf32, #tpu.memory_space<hbm>> -> memref<64x32x128xf32, #tpu.memory_space<hbm>>
    %dma_wait3A_826 = arith.constant 0 : i32
    %dma_wait3A_827 = arith.constant 22 : i32
    %dma_wait3A_828 = arith.constant 0 : i32
    %dma_wait3A_829 = tpu.memref_slice %arg3[%dma_wait3A_826, %dma_wait3A_827, %dma_wait3A_828] : memref<128x64x128xf32, #tpu.memory_space<vmem>> -> memref<64x32x128xf32, #tpu.memory_space<vmem>>
    tpu.wait_dma2 semaphore(%arg4 : memref<!tpu.dma_semaphore, #tpu.memory_space<semaphore_mem>>) src(%dma_wait3A_829 : memref<64x32x128xf32, #tpu.memory_space<vmem>>) dst(%dma_wait3A_825 : memref<64x32x128xf32, #tpu.memory_space<hbm>>)
    %dma_wait3A_830 = arith.constant 1344 : i32
    %dma_wait3A_831 = arith.constant 0 : i32
    %dma_wait3A_832 = arith.constant 0 : i32
    %dma_wait3A_833 = tpu.memref_slice %arg2[%dma_wait3A_830, %dma_wait3A_831, %dma_wait3A_832] : memref<4096x32x128xf32, #tpu.memory_space<hbm>> -> memref<64x32x128xf32, #tpu.memory_space<hbm>>
    %dma_wait3A_834 = arith.constant 64 : i32
    %dma_wait3A_835 = arith.constant 22 : i32
    %dma_wait3A_836 = arith.constant 0 : i32
    %dma_wait3A_837 = tpu.memref_slice %arg3[%dma_wait3A_834, %dma_wait3A_835, %dma_wait3A_836] : memref<128x64x128xf32, #tpu.memory_space<vmem>> -> memref<64x32x128xf32, #tpu.memory_space<vmem>>
    tpu.wait_dma2 semaphore(%arg4 : memref<!tpu.dma_semaphore, #tpu.memory_space<semaphore_mem>>) src(%dma_wait3A_837 : memref<64x32x128xf32, #tpu.memory_space<vmem>>) dst(%dma_wait3A_833 : memref<64x32x128xf32, #tpu.memory_space<hbm>>)
    %dma_wait3A_838 = arith.constant 1408 : i32
    %dma_wait3A_839 = arith.constant 0 : i32
    %dma_wait3A_840 = arith.constant 0 : i32
    %dma_wait3A_841 = tpu.memref_slice %arg2[%dma_wait3A_838, %dma_wait3A_839, %dma_wait3A_840] : memref<4096x32x128xf32, #tpu.memory_space<hbm>> -> memref<64x32x128xf32, #tpu.memory_space<hbm>>
    %dma_wait3A_842 = arith.constant 0 : i32
    %dma_wait3A_843 = arith.constant 21 : i32
    %dma_wait3A_844 = arith.constant 0 : i32
    %dma_wait3A_845 = tpu.memref_slice %arg3[%dma_wait3A_842, %dma_wait3A_843, %dma_wait3A_844] : memref<128x64x128xf32, #tpu.memory_space<vmem>> -> memref<64x32x128xf32, #tpu.memory_space<vmem>>
    tpu.wait_dma2 semaphore(%arg4 : memref<!tpu.dma_semaphore, #tpu.memory_space<semaphore_mem>>) src(%dma_wait3A_845 : memref<64x32x128xf32, #tpu.memory_space<vmem>>) dst(%dma_wait3A_841 : memref<64x32x128xf32, #tpu.memory_space<hbm>>)
    %dma_wait3A_846 = arith.constant 1472 : i32
    %dma_wait3A_847 = arith.constant 0 : i32
    %dma_wait3A_848 = arith.constant 0 : i32
    %dma_wait3A_849 = tpu.memref_slice %arg2[%dma_wait3A_846, %dma_wait3A_847, %dma_wait3A_848] : memref<4096x32x128xf32, #tpu.memory_space<hbm>> -> memref<64x32x128xf32, #tpu.memory_space<hbm>>
    %dma_wait3A_850 = arith.constant 64 : i32
    %dma_wait3A_851 = arith.constant 21 : i32
    %dma_wait3A_852 = arith.constant 0 : i32
    %dma_wait3A_853 = tpu.memref_slice %arg3[%dma_wait3A_850, %dma_wait3A_851, %dma_wait3A_852] : memref<128x64x128xf32, #tpu.memory_space<vmem>> -> memref<64x32x128xf32, #tpu.memory_space<vmem>>
    tpu.wait_dma2 semaphore(%arg4 : memref<!tpu.dma_semaphore, #tpu.memory_space<semaphore_mem>>) src(%dma_wait3A_853 : memref<64x32x128xf32, #tpu.memory_space<vmem>>) dst(%dma_wait3A_849 : memref<64x32x128xf32, #tpu.memory_space<hbm>>)
    %dma_wait3A_854 = arith.constant 1536 : i32
    %dma_wait3A_855 = arith.constant 0 : i32
    %dma_wait3A_856 = arith.constant 0 : i32
    %dma_wait3A_857 = tpu.memref_slice %arg2[%dma_wait3A_854, %dma_wait3A_855, %dma_wait3A_856] : memref<4096x32x128xf32, #tpu.memory_space<hbm>> -> memref<64x32x128xf32, #tpu.memory_space<hbm>>
    %dma_wait3A_858 = arith.constant 0 : i32
    %dma_wait3A_859 = arith.constant 20 : i32
    %dma_wait3A_860 = arith.constant 0 : i32
    %dma_wait3A_861 = tpu.memref_slice %arg3[%dma_wait3A_858, %dma_wait3A_859, %dma_wait3A_860] : memref<128x64x128xf32, #tpu.memory_space<vmem>> -> memref<64x32x128xf32, #tpu.memory_space<vmem>>
    tpu.wait_dma2 semaphore(%arg4 : memref<!tpu.dma_semaphore, #tpu.memory_space<semaphore_mem>>) src(%dma_wait3A_861 : memref<64x32x128xf32, #tpu.memory_space<vmem>>) dst(%dma_wait3A_857 : memref<64x32x128xf32, #tpu.memory_space<hbm>>)
    %dma_wait3A_862 = arith.constant 1600 : i32
    %dma_wait3A_863 = arith.constant 0 : i32
    %dma_wait3A_864 = arith.constant 0 : i32
    %dma_wait3A_865 = tpu.memref_slice %arg2[%dma_wait3A_862, %dma_wait3A_863, %dma_wait3A_864] : memref<4096x32x128xf32, #tpu.memory_space<hbm>> -> memref<64x32x128xf32, #tpu.memory_space<hbm>>
    %dma_wait3A_866 = arith.constant 64 : i32
    %dma_wait3A_867 = arith.constant 20 : i32
    %dma_wait3A_868 = arith.constant 0 : i32
    %dma_wait3A_869 = tpu.memref_slice %arg3[%dma_wait3A_866, %dma_wait3A_867, %dma_wait3A_868] : memref<128x64x128xf32, #tpu.memory_space<vmem>> -> memref<64x32x128xf32, #tpu.memory_space<vmem>>
    tpu.wait_dma2 semaphore(%arg4 : memref<!tpu.dma_semaphore, #tpu.memory_space<semaphore_mem>>) src(%dma_wait3A_869 : memref<64x32x128xf32, #tpu.memory_space<vmem>>) dst(%dma_wait3A_865 : memref<64x32x128xf32, #tpu.memory_space<hbm>>)
    %dma_wait3A_870 = arith.constant 1664 : i32
    %dma_wait3A_871 = arith.constant 0 : i32
    %dma_wait3A_872 = arith.constant 0 : i32
    %dma_wait3A_873 = tpu.memref_slice %arg2[%dma_wait3A_870, %dma_wait3A_871, %dma_wait3A_872] : memref<4096x32x128xf32, #tpu.memory_space<hbm>> -> memref<64x32x128xf32, #tpu.memory_space<hbm>>
    %dma_wait3A_874 = arith.constant 0 : i32
    %dma_wait3A_875 = arith.constant 19 : i32
    %dma_wait3A_876 = arith.constant 0 : i32
    %dma_wait3A_877 = tpu.memref_slice %arg3[%dma_wait3A_874, %dma_wait3A_875, %dma_wait3A_876] : memref<128x64x128xf32, #tpu.memory_space<vmem>> -> memref<64x32x128xf32, #tpu.memory_space<vmem>>
    tpu.wait_dma2 semaphore(%arg4 : memref<!tpu.dma_semaphore, #tpu.memory_space<semaphore_mem>>) src(%dma_wait3A_877 : memref<64x32x128xf32, #tpu.memory_space<vmem>>) dst(%dma_wait3A_873 : memref<64x32x128xf32, #tpu.memory_space<hbm>>)
    %dma_wait3A_878 = arith.constant 1728 : i32
    %dma_wait3A_879 = arith.constant 0 : i32
    %dma_wait3A_880 = arith.constant 0 : i32
    %dma_wait3A_881 = tpu.memref_slice %arg2[%dma_wait3A_878, %dma_wait3A_879, %dma_wait3A_880] : memref<4096x32x128xf32, #tpu.memory_space<hbm>> -> memref<64x32x128xf32, #tpu.memory_space<hbm>>
    %dma_wait3A_882 = arith.constant 64 : i32
    %dma_wait3A_883 = arith.constant 19 : i32
    %dma_wait3A_884 = arith.constant 0 : i32
    %dma_wait3A_885 = tpu.memref_slice %arg3[%dma_wait3A_882, %dma_wait3A_883, %dma_wait3A_884] : memref<128x64x128xf32, #tpu.memory_space<vmem>> -> memref<64x32x128xf32, #tpu.memory_space<vmem>>
    tpu.wait_dma2 semaphore(%arg4 : memref<!tpu.dma_semaphore, #tpu.memory_space<semaphore_mem>>) src(%dma_wait3A_885 : memref<64x32x128xf32, #tpu.memory_space<vmem>>) dst(%dma_wait3A_881 : memref<64x32x128xf32, #tpu.memory_space<hbm>>)
    %dma_wait3A_886 = arith.constant 1792 : i32
    %dma_wait3A_887 = arith.constant 0 : i32
    %dma_wait3A_888 = arith.constant 0 : i32
    %dma_wait3A_889 = tpu.memref_slice %arg2[%dma_wait3A_886, %dma_wait3A_887, %dma_wait3A_888] : memref<4096x32x128xf32, #tpu.memory_space<hbm>> -> memref<64x32x128xf32, #tpu.memory_space<hbm>>
    %dma_wait3A_890 = arith.constant 0 : i32
    %dma_wait3A_891 = arith.constant 18 : i32
    %dma_wait3A_892 = arith.constant 0 : i32
    %dma_wait3A_893 = tpu.memref_slice %arg3[%dma_wait3A_890, %dma_wait3A_891, %dma_wait3A_892] : memref<128x64x128xf32, #tpu.memory_space<vmem>> -> memref<64x32x128xf32, #tpu.memory_space<vmem>>
    tpu.wait_dma2 semaphore(%arg4 : memref<!tpu.dma_semaphore, #tpu.memory_space<semaphore_mem>>) src(%dma_wait3A_893 : memref<64x32x128xf32, #tpu.memory_space<vmem>>) dst(%dma_wait3A_889 : memref<64x32x128xf32, #tpu.memory_space<hbm>>)
    %dma_wait3A_894 = arith.constant 1856 : i32
    %dma_wait3A_895 = arith.constant 0 : i32
    %dma_wait3A_896 = arith.constant 0 : i32
    %dma_wait3A_897 = tpu.memref_slice %arg2[%dma_wait3A_894, %dma_wait3A_895, %dma_wait3A_896] : memref<4096x32x128xf32, #tpu.memory_space<hbm>> -> memref<64x32x128xf32, #tpu.memory_space<hbm>>
    %dma_wait3A_898 = arith.constant 64 : i32
    %dma_wait3A_899 = arith.constant 18 : i32
    %dma_wait3A_900 = arith.constant 0 : i32
    %dma_wait3A_901 = tpu.memref_slice %arg3[%dma_wait3A_898, %dma_wait3A_899, %dma_wait3A_900] : memref<128x64x128xf32, #tpu.memory_space<vmem>> -> memref<64x32x128xf32, #tpu.memory_space<vmem>>
    tpu.wait_dma2 semaphore(%arg4 : memref<!tpu.dma_semaphore, #tpu.memory_space<semaphore_mem>>) src(%dma_wait3A_901 : memref<64x32x128xf32, #tpu.memory_space<vmem>>) dst(%dma_wait3A_897 : memref<64x32x128xf32, #tpu.memory_space<hbm>>)
    %dma_wait3A_902 = arith.constant 1920 : i32
    %dma_wait3A_903 = arith.constant 0 : i32
    %dma_wait3A_904 = arith.constant 0 : i32
    %dma_wait3A_905 = tpu.memref_slice %arg2[%dma_wait3A_902, %dma_wait3A_903, %dma_wait3A_904] : memref<4096x32x128xf32, #tpu.memory_space<hbm>> -> memref<64x32x128xf32, #tpu.memory_space<hbm>>
    %dma_wait3A_906 = arith.constant 0 : i32
    %dma_wait3A_907 = arith.constant 17 : i32
    %dma_wait3A_908 = arith.constant 0 : i32
    %dma_wait3A_909 = tpu.memref_slice %arg3[%dma_wait3A_906, %dma_wait3A_907, %dma_wait3A_908] : memref<128x64x128xf32, #tpu.memory_space<vmem>> -> memref<64x32x128xf32, #tpu.memory_space<vmem>>
    tpu.wait_dma2 semaphore(%arg4 : memref<!tpu.dma_semaphore, #tpu.memory_space<semaphore_mem>>) src(%dma_wait3A_909 : memref<64x32x128xf32, #tpu.memory_space<vmem>>) dst(%dma_wait3A_905 : memref<64x32x128xf32, #tpu.memory_space<hbm>>)
    %dma_wait3A_910 = arith.constant 1984 : i32
    %dma_wait3A_911 = arith.constant 0 : i32
    %dma_wait3A_912 = arith.constant 0 : i32
    %dma_wait3A_913 = tpu.memref_slice %arg2[%dma_wait3A_910, %dma_wait3A_911, %dma_wait3A_912] : memref<4096x32x128xf32, #tpu.memory_space<hbm>> -> memref<64x32x128xf32, #tpu.memory_space<hbm>>
    %dma_wait3A_914 = arith.constant 64 : i32
    %dma_wait3A_915 = arith.constant 17 : i32
    %dma_wait3A_916 = arith.constant 0 : i32
    %dma_wait3A_917 = tpu.memref_slice %arg3[%dma_wait3A_914, %dma_wait3A_915, %dma_wait3A_916] : memref<128x64x128xf32, #tpu.memory_space<vmem>> -> memref<64x32x128xf32, #tpu.memory_space<vmem>>
    tpu.wait_dma2 semaphore(%arg4 : memref<!tpu.dma_semaphore, #tpu.memory_space<semaphore_mem>>) src(%dma_wait3A_917 : memref<64x32x128xf32, #tpu.memory_space<vmem>>) dst(%dma_wait3A_913 : memref<64x32x128xf32, #tpu.memory_space<hbm>>)
    %dma_wait3A_918 = arith.constant 2048 : i32
    %dma_wait3A_919 = arith.constant 0 : i32
    %dma_wait3A_920 = arith.constant 0 : i32
    %dma_wait3A_921 = tpu.memref_slice %arg2[%dma_wait3A_918, %dma_wait3A_919, %dma_wait3A_920] : memref<4096x32x128xf32, #tpu.memory_space<hbm>> -> memref<64x32x128xf32, #tpu.memory_space<hbm>>
    %dma_wait3A_922 = arith.constant 0 : i32
    %dma_wait3A_923 = arith.constant 16 : i32
    %dma_wait3A_924 = arith.constant 0 : i32
    %dma_wait3A_925 = tpu.memref_slice %arg3[%dma_wait3A_922, %dma_wait3A_923, %dma_wait3A_924] : memref<128x64x128xf32, #tpu.memory_space<vmem>> -> memref<64x32x128xf32, #tpu.memory_space<vmem>>
    tpu.wait_dma2 semaphore(%arg4 : memref<!tpu.dma_semaphore, #tpu.memory_space<semaphore_mem>>) src(%dma_wait3A_925 : memref<64x32x128xf32, #tpu.memory_space<vmem>>) dst(%dma_wait3A_921 : memref<64x32x128xf32, #tpu.memory_space<hbm>>)
    %dma_wait3A_926 = arith.constant 2112 : i32
    %dma_wait3A_927 = arith.constant 0 : i32
    %dma_wait3A_928 = arith.constant 0 : i32
    %dma_wait3A_929 = tpu.memref_slice %arg2[%dma_wait3A_926, %dma_wait3A_927, %dma_wait3A_928] : memref<4096x32x128xf32, #tpu.memory_space<hbm>> -> memref<64x32x128xf32, #tpu.memory_space<hbm>>
    %dma_wait3A_930 = arith.constant 64 : i32
    %dma_wait3A_931 = arith.constant 16 : i32
    %dma_wait3A_932 = arith.constant 0 : i32
    %dma_wait3A_933 = tpu.memref_slice %arg3[%dma_wait3A_930, %dma_wait3A_931, %dma_wait3A_932] : memref<128x64x128xf32, #tpu.memory_space<vmem>> -> memref<64x32x128xf32, #tpu.memory_space<vmem>>
    tpu.wait_dma2 semaphore(%arg4 : memref<!tpu.dma_semaphore, #tpu.memory_space<semaphore_mem>>) src(%dma_wait3A_933 : memref<64x32x128xf32, #tpu.memory_space<vmem>>) dst(%dma_wait3A_929 : memref<64x32x128xf32, #tpu.memory_space<hbm>>)
    %dma_wait3A_934 = arith.constant 2176 : i32
    %dma_wait3A_935 = arith.constant 0 : i32
    %dma_wait3A_936 = arith.constant 0 : i32
    %dma_wait3A_937 = tpu.memref_slice %arg2[%dma_wait3A_934, %dma_wait3A_935, %dma_wait3A_936] : memref<4096x32x128xf32, #tpu.memory_space<hbm>> -> memref<64x32x128xf32, #tpu.memory_space<hbm>>
    %dma_wait3A_938 = arith.constant 0 : i32
    %dma_wait3A_939 = arith.constant 15 : i32
    %dma_wait3A_940 = arith.constant 0 : i32
    %dma_wait3A_941 = tpu.memref_slice %arg3[%dma_wait3A_938, %dma_wait3A_939, %dma_wait3A_940] : memref<128x64x128xf32, #tpu.memory_space<vmem>> -> memref<64x32x128xf32, #tpu.memory_space<vmem>>
    tpu.wait_dma2 semaphore(%arg4 : memref<!tpu.dma_semaphore, #tpu.memory_space<semaphore_mem>>) src(%dma_wait3A_941 : memref<64x32x128xf32, #tpu.memory_space<vmem>>) dst(%dma_wait3A_937 : memref<64x32x128xf32, #tpu.memory_space<hbm>>)
    %dma_wait3A_942 = arith.constant 2240 : i32
    %dma_wait3A_943 = arith.constant 0 : i32
    %dma_wait3A_944 = arith.constant 0 : i32
    %dma_wait3A_945 = tpu.memref_slice %arg2[%dma_wait3A_942, %dma_wait3A_943, %dma_wait3A_944] : memref<4096x32x128xf32, #tpu.memory_space<hbm>> -> memref<64x32x128xf32, #tpu.memory_space<hbm>>
    %dma_wait3A_946 = arith.constant 64 : i32
    %dma_wait3A_947 = arith.constant 15 : i32
    %dma_wait3A_948 = arith.constant 0 : i32
    %dma_wait3A_949 = tpu.memref_slice %arg3[%dma_wait3A_946, %dma_wait3A_947, %dma_wait3A_948] : memref<128x64x128xf32, #tpu.memory_space<vmem>> -> memref<64x32x128xf32, #tpu.memory_space<vmem>>
    tpu.wait_dma2 semaphore(%arg4 : memref<!tpu.dma_semaphore, #tpu.memory_space<semaphore_mem>>) src(%dma_wait3A_949 : memref<64x32x128xf32, #tpu.memory_space<vmem>>) dst(%dma_wait3A_945 : memref<64x32x128xf32, #tpu.memory_space<hbm>>)
    %dma_wait3A_950 = arith.constant 2304 : i32
    %dma_wait3A_951 = arith.constant 0 : i32
    %dma_wait3A_952 = arith.constant 0 : i32
    %dma_wait3A_953 = tpu.memref_slice %arg2[%dma_wait3A_950, %dma_wait3A_951, %dma_wait3A_952] : memref<4096x32x128xf32, #tpu.memory_space<hbm>> -> memref<64x32x128xf32, #tpu.memory_space<hbm>>
    %dma_wait3A_954 = arith.constant 0 : i32
    %dma_wait3A_955 = arith.constant 14 : i32
    %dma_wait3A_956 = arith.constant 0 : i32
    %dma_wait3A_957 = tpu.memref_slice %arg3[%dma_wait3A_954, %dma_wait3A_955, %dma_wait3A_956] : memref<128x64x128xf32, #tpu.memory_space<vmem>> -> memref<64x32x128xf32, #tpu.memory_space<vmem>>
    tpu.wait_dma2 semaphore(%arg4 : memref<!tpu.dma_semaphore, #tpu.memory_space<semaphore_mem>>) src(%dma_wait3A_957 : memref<64x32x128xf32, #tpu.memory_space<vmem>>) dst(%dma_wait3A_953 : memref<64x32x128xf32, #tpu.memory_space<hbm>>)
    %dma_wait3A_958 = arith.constant 2368 : i32
    %dma_wait3A_959 = arith.constant 0 : i32
    %dma_wait3A_960 = arith.constant 0 : i32
    %dma_wait3A_961 = tpu.memref_slice %arg2[%dma_wait3A_958, %dma_wait3A_959, %dma_wait3A_960] : memref<4096x32x128xf32, #tpu.memory_space<hbm>> -> memref<64x32x128xf32, #tpu.memory_space<hbm>>
    %dma_wait3A_962 = arith.constant 64 : i32
    %dma_wait3A_963 = arith.constant 14 : i32
    %dma_wait3A_964 = arith.constant 0 : i32
    %dma_wait3A_965 = tpu.memref_slice %arg3[%dma_wait3A_962, %dma_wait3A_963, %dma_wait3A_964] : memref<128x64x128xf32, #tpu.memory_space<vmem>> -> memref<64x32x128xf32, #tpu.memory_space<vmem>>
    tpu.wait_dma2 semaphore(%arg4 : memref<!tpu.dma_semaphore, #tpu.memory_space<semaphore_mem>>) src(%dma_wait3A_965 : memref<64x32x128xf32, #tpu.memory_space<vmem>>) dst(%dma_wait3A_961 : memref<64x32x128xf32, #tpu.memory_space<hbm>>)
    %dma_wait3A_966 = arith.constant 2432 : i32
    %dma_wait3A_967 = arith.constant 0 : i32
    %dma_wait3A_968 = arith.constant 0 : i32
    %dma_wait3A_969 = tpu.memref_slice %arg2[%dma_wait3A_966, %dma_wait3A_967, %dma_wait3A_968] : memref<4096x32x128xf32, #tpu.memory_space<hbm>> -> memref<64x32x128xf32, #tpu.memory_space<hbm>>
    %dma_wait3A_970 = arith.constant 0 : i32
    %dma_wait3A_971 = arith.constant 13 : i32
    %dma_wait3A_972 = arith.constant 0 : i32
    %dma_wait3A_973 = tpu.memref_slice %arg3[%dma_wait3A_970, %dma_wait3A_971, %dma_wait3A_972] : memref<128x64x128xf32, #tpu.memory_space<vmem>> -> memref<64x32x128xf32, #tpu.memory_space<vmem>>
    tpu.wait_dma2 semaphore(%arg4 : memref<!tpu.dma_semaphore, #tpu.memory_space<semaphore_mem>>) src(%dma_wait3A_973 : memref<64x32x128xf32, #tpu.memory_space<vmem>>) dst(%dma_wait3A_969 : memref<64x32x128xf32, #tpu.memory_space<hbm>>)
    %dma_wait3A_974 = arith.constant 2496 : i32
    %dma_wait3A_975 = arith.constant 0 : i32
    %dma_wait3A_976 = arith.constant 0 : i32
    %dma_wait3A_977 = tpu.memref_slice %arg2[%dma_wait3A_974, %dma_wait3A_975, %dma_wait3A_976] : memref<4096x32x128xf32, #tpu.memory_space<hbm>> -> memref<64x32x128xf32, #tpu.memory_space<hbm>>
    %dma_wait3A_978 = arith.constant 64 : i32
    %dma_wait3A_979 = arith.constant 13 : i32
    %dma_wait3A_980 = arith.constant 0 : i32
    %dma_wait3A_981 = tpu.memref_slice %arg3[%dma_wait3A_978, %dma_wait3A_979, %dma_wait3A_980] : memref<128x64x128xf32, #tpu.memory_space<vmem>> -> memref<64x32x128xf32, #tpu.memory_space<vmem>>
    tpu.wait_dma2 semaphore(%arg4 : memref<!tpu.dma_semaphore, #tpu.memory_space<semaphore_mem>>) src(%dma_wait3A_981 : memref<64x32x128xf32, #tpu.memory_space<vmem>>) dst(%dma_wait3A_977 : memref<64x32x128xf32, #tpu.memory_space<hbm>>)
    %dma_wait3A_982 = arith.constant 2560 : i32
    %dma_wait3A_983 = arith.constant 0 : i32
    %dma_wait3A_984 = arith.constant 0 : i32
    %dma_wait3A_985 = tpu.memref_slice %arg2[%dma_wait3A_982, %dma_wait3A_983, %dma_wait3A_984] : memref<4096x32x128xf32, #tpu.memory_space<hbm>> -> memref<64x32x128xf32, #tpu.memory_space<hbm>>
    %dma_wait3A_986 = arith.constant 0 : i32
    %dma_wait3A_987 = arith.constant 12 : i32
    %dma_wait3A_988 = arith.constant 0 : i32
    %dma_wait3A_989 = tpu.memref_slice %arg3[%dma_wait3A_986, %dma_wait3A_987, %dma_wait3A_988] : memref<128x64x128xf32, #tpu.memory_space<vmem>> -> memref<64x32x128xf32, #tpu.memory_space<vmem>>
    tpu.wait_dma2 semaphore(%arg4 : memref<!tpu.dma_semaphore, #tpu.memory_space<semaphore_mem>>) src(%dma_wait3A_989 : memref<64x32x128xf32, #tpu.memory_space<vmem>>) dst(%dma_wait3A_985 : memref<64x32x128xf32, #tpu.memory_space<hbm>>)
    %dma_wait3A_990 = arith.constant 2624 : i32
    %dma_wait3A_991 = arith.constant 0 : i32
    %dma_wait3A_992 = arith.constant 0 : i32
    %dma_wait3A_993 = tpu.memref_slice %arg2[%dma_wait3A_990, %dma_wait3A_991, %dma_wait3A_992] : memref<4096x32x128xf32, #tpu.memory_space<hbm>> -> memref<64x32x128xf32, #tpu.memory_space<hbm>>
    %dma_wait3A_994 = arith.constant 64 : i32
    %dma_wait3A_995 = arith.constant 12 : i32
    %dma_wait3A_996 = arith.constant 0 : i32
    %dma_wait3A_997 = tpu.memref_slice %arg3[%dma_wait3A_994, %dma_wait3A_995, %dma_wait3A_996] : memref<128x64x128xf32, #tpu.memory_space<vmem>> -> memref<64x32x128xf32, #tpu.memory_space<vmem>>
    tpu.wait_dma2 semaphore(%arg4 : memref<!tpu.dma_semaphore, #tpu.memory_space<semaphore_mem>>) src(%dma_wait3A_997 : memref<64x32x128xf32, #tpu.memory_space<vmem>>) dst(%dma_wait3A_993 : memref<64x32x128xf32, #tpu.memory_space<hbm>>)
    %dma_wait3A_998 = arith.constant 2688 : i32
    %dma_wait3A_999 = arith.constant 0 : i32
    %dma_wait3A_1000 = arith.constant 0 : i32
    %dma_wait3A_1001 = tpu.memref_slice %arg2[%dma_wait3A_998, %dma_wait3A_999, %dma_wait3A_1000] : memref<4096x32x128xf32, #tpu.memory_space<hbm>> -> memref<64x32x128xf32, #tpu.memory_space<hbm>>
    %dma_wait3A_1002 = arith.constant 0 : i32
    %dma_wait3A_1003 = arith.constant 11 : i32
    %dma_wait3A_1004 = arith.constant 0 : i32
    %dma_wait3A_1005 = tpu.memref_slice %arg3[%dma_wait3A_1002, %dma_wait3A_1003, %dma_wait3A_1004] : memref<128x64x128xf32, #tpu.memory_space<vmem>> -> memref<64x32x128xf32, #tpu.memory_space<vmem>>
    tpu.wait_dma2 semaphore(%arg4 : memref<!tpu.dma_semaphore, #tpu.memory_space<semaphore_mem>>) src(%dma_wait3A_1005 : memref<64x32x128xf32, #tpu.memory_space<vmem>>) dst(%dma_wait3A_1001 : memref<64x32x128xf32, #tpu.memory_space<hbm>>)
    %dma_wait3A_1006 = arith.constant 2752 : i32
    %dma_wait3A_1007 = arith.constant 0 : i32
    %dma_wait3A_1008 = arith.constant 0 : i32
    %dma_wait3A_1009 = tpu.memref_slice %arg2[%dma_wait3A_1006, %dma_wait3A_1007, %dma_wait3A_1008] : memref<4096x32x128xf32, #tpu.memory_space<hbm>> -> memref<64x32x128xf32, #tpu.memory_space<hbm>>
    %dma_wait3A_1010 = arith.constant 64 : i32
    %dma_wait3A_1011 = arith.constant 11 : i32
    %dma_wait3A_1012 = arith.constant 0 : i32
    %dma_wait3A_1013 = tpu.memref_slice %arg3[%dma_wait3A_1010, %dma_wait3A_1011, %dma_wait3A_1012] : memref<128x64x128xf32, #tpu.memory_space<vmem>> -> memref<64x32x128xf32, #tpu.memory_space<vmem>>
    tpu.wait_dma2 semaphore(%arg4 : memref<!tpu.dma_semaphore, #tpu.memory_space<semaphore_mem>>) src(%dma_wait3A_1013 : memref<64x32x128xf32, #tpu.memory_space<vmem>>) dst(%dma_wait3A_1009 : memref<64x32x128xf32, #tpu.memory_space<hbm>>)
    %dma_wait3A_1014 = arith.constant 2816 : i32
    %dma_wait3A_1015 = arith.constant 0 : i32
    %dma_wait3A_1016 = arith.constant 0 : i32
    %dma_wait3A_1017 = tpu.memref_slice %arg2[%dma_wait3A_1014, %dma_wait3A_1015, %dma_wait3A_1016] : memref<4096x32x128xf32, #tpu.memory_space<hbm>> -> memref<64x32x128xf32, #tpu.memory_space<hbm>>
    %dma_wait3A_1018 = arith.constant 0 : i32
    %dma_wait3A_1019 = arith.constant 10 : i32
    %dma_wait3A_1020 = arith.constant 0 : i32
    %dma_wait3A_1021 = tpu.memref_slice %arg3[%dma_wait3A_1018, %dma_wait3A_1019, %dma_wait3A_1020] : memref<128x64x128xf32, #tpu.memory_space<vmem>> -> memref<64x32x128xf32, #tpu.memory_space<vmem>>
    tpu.wait_dma2 semaphore(%arg4 : memref<!tpu.dma_semaphore, #tpu.memory_space<semaphore_mem>>) src(%dma_wait3A_1021 : memref<64x32x128xf32, #tpu.memory_space<vmem>>) dst(%dma_wait3A_1017 : memref<64x32x128xf32, #tpu.memory_space<hbm>>)
    %dma_wait3A_1022 = arith.constant 2880 : i32
    %dma_wait3A_1023 = arith.constant 0 : i32
    %dma_wait3A_1024 = arith.constant 0 : i32
    %dma_wait3A_1025 = tpu.memref_slice %arg2[%dma_wait3A_1022, %dma_wait3A_1023, %dma_wait3A_1024] : memref<4096x32x128xf32, #tpu.memory_space<hbm>> -> memref<64x32x128xf32, #tpu.memory_space<hbm>>
    %dma_wait3A_1026 = arith.constant 64 : i32
    %dma_wait3A_1027 = arith.constant 10 : i32
    %dma_wait3A_1028 = arith.constant 0 : i32
    %dma_wait3A_1029 = tpu.memref_slice %arg3[%dma_wait3A_1026, %dma_wait3A_1027, %dma_wait3A_1028] : memref<128x64x128xf32, #tpu.memory_space<vmem>> -> memref<64x32x128xf32, #tpu.memory_space<vmem>>
    tpu.wait_dma2 semaphore(%arg4 : memref<!tpu.dma_semaphore, #tpu.memory_space<semaphore_mem>>) src(%dma_wait3A_1029 : memref<64x32x128xf32, #tpu.memory_space<vmem>>) dst(%dma_wait3A_1025 : memref<64x32x128xf32, #tpu.memory_space<hbm>>)
    %dma_wait3A_1030 = arith.constant 2944 : i32
    %dma_wait3A_1031 = arith.constant 0 : i32
    %dma_wait3A_1032 = arith.constant 0 : i32
    %dma_wait3A_1033 = tpu.memref_slice %arg2[%dma_wait3A_1030, %dma_wait3A_1031, %dma_wait3A_1032] : memref<4096x32x128xf32, #tpu.memory_space<hbm>> -> memref<64x32x128xf32, #tpu.memory_space<hbm>>
    %dma_wait3A_1034 = arith.constant 0 : i32
    %dma_wait3A_1035 = arith.constant 9 : i32
    %dma_wait3A_1036 = arith.constant 0 : i32
    %dma_wait3A_1037 = tpu.memref_slice %arg3[%dma_wait3A_1034, %dma_wait3A_1035, %dma_wait3A_1036] : memref<128x64x128xf32, #tpu.memory_space<vmem>> -> memref<64x32x128xf32, #tpu.memory_space<vmem>>
    tpu.wait_dma2 semaphore(%arg4 : memref<!tpu.dma_semaphore, #tpu.memory_space<semaphore_mem>>) src(%dma_wait3A_1037 : memref<64x32x128xf32, #tpu.memory_space<vmem>>) dst(%dma_wait3A_1033 : memref<64x32x128xf32, #tpu.memory_space<hbm>>)
    %dma_wait3A_1038 = arith.constant 3008 : i32
    %dma_wait3A_1039 = arith.constant 0 : i32
    %dma_wait3A_1040 = arith.constant 0 : i32
    %dma_wait3A_1041 = tpu.memref_slice %arg2[%dma_wait3A_1038, %dma_wait3A_1039, %dma_wait3A_1040] : memref<4096x32x128xf32, #tpu.memory_space<hbm>> -> memref<64x32x128xf32, #tpu.memory_space<hbm>>
    %dma_wait3A_1042 = arith.constant 64 : i32
    %dma_wait3A_1043 = arith.constant 9 : i32
    %dma_wait3A_1044 = arith.constant 0 : i32
    %dma_wait3A_1045 = tpu.memref_slice %arg3[%dma_wait3A_1042, %dma_wait3A_1043, %dma_wait3A_1044] : memref<128x64x128xf32, #tpu.memory_space<vmem>> -> memref<64x32x128xf32, #tpu.memory_space<vmem>>
    tpu.wait_dma2 semaphore(%arg4 : memref<!tpu.dma_semaphore, #tpu.memory_space<semaphore_mem>>) src(%dma_wait3A_1045 : memref<64x32x128xf32, #tpu.memory_space<vmem>>) dst(%dma_wait3A_1041 : memref<64x32x128xf32, #tpu.memory_space<hbm>>)
    %dma_wait3A_1046 = arith.constant 3072 : i32
    %dma_wait3A_1047 = arith.constant 0 : i32
    %dma_wait3A_1048 = arith.constant 0 : i32
    %dma_wait3A_1049 = tpu.memref_slice %arg2[%dma_wait3A_1046, %dma_wait3A_1047, %dma_wait3A_1048] : memref<4096x32x128xf32, #tpu.memory_space<hbm>> -> memref<64x32x128xf32, #tpu.memory_space<hbm>>
    %dma_wait3A_1050 = arith.constant 0 : i32
    %dma_wait3A_1051 = arith.constant 8 : i32
    %dma_wait3A_1052 = arith.constant 0 : i32
    %dma_wait3A_1053 = tpu.memref_slice %arg3[%dma_wait3A_1050, %dma_wait3A_1051, %dma_wait3A_1052] : memref<128x64x128xf32, #tpu.memory_space<vmem>> -> memref<64x32x128xf32, #tpu.memory_space<vmem>>
    tpu.wait_dma2 semaphore(%arg4 : memref<!tpu.dma_semaphore, #tpu.memory_space<semaphore_mem>>) src(%dma_wait3A_1053 : memref<64x32x128xf32, #tpu.memory_space<vmem>>) dst(%dma_wait3A_1049 : memref<64x32x128xf32, #tpu.memory_space<hbm>>)
    %dma_wait3A_1054 = arith.constant 3136 : i32
    %dma_wait3A_1055 = arith.constant 0 : i32
    %dma_wait3A_1056 = arith.constant 0 : i32
    %dma_wait3A_1057 = tpu.memref_slice %arg2[%dma_wait3A_1054, %dma_wait3A_1055, %dma_wait3A_1056] : memref<4096x32x128xf32, #tpu.memory_space<hbm>> -> memref<64x32x128xf32, #tpu.memory_space<hbm>>
    %dma_wait3A_1058 = arith.constant 64 : i32
    %dma_wait3A_1059 = arith.constant 8 : i32
    %dma_wait3A_1060 = arith.constant 0 : i32
    %dma_wait3A_1061 = tpu.memref_slice %arg3[%dma_wait3A_1058, %dma_wait3A_1059, %dma_wait3A_1060] : memref<128x64x128xf32, #tpu.memory_space<vmem>> -> memref<64x32x128xf32, #tpu.memory_space<vmem>>
    tpu.wait_dma2 semaphore(%arg4 : memref<!tpu.dma_semaphore, #tpu.memory_space<semaphore_mem>>) src(%dma_wait3A_1061 : memref<64x32x128xf32, #tpu.memory_space<vmem>>) dst(%dma_wait3A_1057 : memref<64x32x128xf32, #tpu.memory_space<hbm>>)
    %dma_wait3A_1062 = arith.constant 3200 : i32
    %dma_wait3A_1063 = arith.constant 0 : i32
    %dma_wait3A_1064 = arith.constant 0 : i32
    %dma_wait3A_1065 = tpu.memref_slice %arg2[%dma_wait3A_1062, %dma_wait3A_1063, %dma_wait3A_1064] : memref<4096x32x128xf32, #tpu.memory_space<hbm>> -> memref<64x32x128xf32, #tpu.memory_space<hbm>>
    %dma_wait3A_1066 = arith.constant 0 : i32
    %dma_wait3A_1067 = arith.constant 7 : i32
    %dma_wait3A_1068 = arith.constant 0 : i32
    %dma_wait3A_1069 = tpu.memref_slice %arg3[%dma_wait3A_1066, %dma_wait3A_1067, %dma_wait3A_1068] : memref<128x64x128xf32, #tpu.memory_space<vmem>> -> memref<64x32x128xf32, #tpu.memory_space<vmem>>
    tpu.wait_dma2 semaphore(%arg4 : memref<!tpu.dma_semaphore, #tpu.memory_space<semaphore_mem>>) src(%dma_wait3A_1069 : memref<64x32x128xf32, #tpu.memory_space<vmem>>) dst(%dma_wait3A_1065 : memref<64x32x128xf32, #tpu.memory_space<hbm>>)
    %dma_wait3A_1070 = arith.constant 3264 : i32
    %dma_wait3A_1071 = arith.constant 0 : i32
    %dma_wait3A_1072 = arith.constant 0 : i32
    %dma_wait3A_1073 = tpu.memref_slice %arg2[%dma_wait3A_1070, %dma_wait3A_1071, %dma_wait3A_1072] : memref<4096x32x128xf32, #tpu.memory_space<hbm>> -> memref<64x32x128xf32, #tpu.memory_space<hbm>>
    %dma_wait3A_1074 = arith.constant 64 : i32
    %dma_wait3A_1075 = arith.constant 7 : i32
    %dma_wait3A_1076 = arith.constant 0 : i32
    %dma_wait3A_1077 = tpu.memref_slice %arg3[%dma_wait3A_1074, %dma_wait3A_1075, %dma_wait3A_1076] : memref<128x64x128xf32, #tpu.memory_space<vmem>> -> memref<64x32x128xf32, #tpu.memory_space<vmem>>
    tpu.wait_dma2 semaphore(%arg4 : memref<!tpu.dma_semaphore, #tpu.memory_space<semaphore_mem>>) src(%dma_wait3A_1077 : memref<64x32x128xf32, #tpu.memory_space<vmem>>) dst(%dma_wait3A_1073 : memref<64x32x128xf32, #tpu.memory_space<hbm>>)
    %dma_wait3A_1078 = arith.constant 3328 : i32
    %dma_wait3A_1079 = arith.constant 0 : i32
    %dma_wait3A_1080 = arith.constant 0 : i32
    %dma_wait3A_1081 = tpu.memref_slice %arg2[%dma_wait3A_1078, %dma_wait3A_1079, %dma_wait3A_1080] : memref<4096x32x128xf32, #tpu.memory_space<hbm>> -> memref<64x32x128xf32, #tpu.memory_space<hbm>>
    %dma_wait3A_1082 = arith.constant 0 : i32
    %dma_wait3A_1083 = arith.constant 6 : i32
    %dma_wait3A_1084 = arith.constant 0 : i32
    %dma_wait3A_1085 = tpu.memref_slice %arg3[%dma_wait3A_1082, %dma_wait3A_1083, %dma_wait3A_1084] : memref<128x64x128xf32, #tpu.memory_space<vmem>> -> memref<64x32x128xf32, #tpu.memory_space<vmem>>
    tpu.wait_dma2 semaphore(%arg4 : memref<!tpu.dma_semaphore, #tpu.memory_space<semaphore_mem>>) src(%dma_wait3A_1085 : memref<64x32x128xf32, #tpu.memory_space<vmem>>) dst(%dma_wait3A_1081 : memref<64x32x128xf32, #tpu.memory_space<hbm>>)
    %dma_wait3A_1086 = arith.constant 3392 : i32
    %dma_wait3A_1087 = arith.constant 0 : i32
    %dma_wait3A_1088 = arith.constant 0 : i32
    %dma_wait3A_1089 = tpu.memref_slice %arg2[%dma_wait3A_1086, %dma_wait3A_1087, %dma_wait3A_1088] : memref<4096x32x128xf32, #tpu.memory_space<hbm>> -> memref<64x32x128xf32, #tpu.memory_space<hbm>>
    %dma_wait3A_1090 = arith.constant 64 : i32
    %dma_wait3A_1091 = arith.constant 6 : i32
    %dma_wait3A_1092 = arith.constant 0 : i32
    %dma_wait3A_1093 = tpu.memref_slice %arg3[%dma_wait3A_1090, %dma_wait3A_1091, %dma_wait3A_1092] : memref<128x64x128xf32, #tpu.memory_space<vmem>> -> memref<64x32x128xf32, #tpu.memory_space<vmem>>
    tpu.wait_dma2 semaphore(%arg4 : memref<!tpu.dma_semaphore, #tpu.memory_space<semaphore_mem>>) src(%dma_wait3A_1093 : memref<64x32x128xf32, #tpu.memory_space<vmem>>) dst(%dma_wait3A_1089 : memref<64x32x128xf32, #tpu.memory_space<hbm>>)
    %dma_wait3A_1094 = arith.constant 3456 : i32
    %dma_wait3A_1095 = arith.constant 0 : i32
    %dma_wait3A_1096 = arith.constant 0 : i32
    %dma_wait3A_1097 = tpu.memref_slice %arg2[%dma_wait3A_1094, %dma_wait3A_1095, %dma_wait3A_1096] : memref<4096x32x128xf32, #tpu.memory_space<hbm>> -> memref<64x32x128xf32, #tpu.memory_space<hbm>>
    %dma_wait3A_1098 = arith.constant 0 : i32
    %dma_wait3A_1099 = arith.constant 5 : i32
    %dma_wait3A_1100 = arith.constant 0 : i32
    %dma_wait3A_1101 = tpu.memref_slice %arg3[%dma_wait3A_1098, %dma_wait3A_1099, %dma_wait3A_1100] : memref<128x64x128xf32, #tpu.memory_space<vmem>> -> memref<64x32x128xf32, #tpu.memory_space<vmem>>
    tpu.wait_dma2 semaphore(%arg4 : memref<!tpu.dma_semaphore, #tpu.memory_space<semaphore_mem>>) src(%dma_wait3A_1101 : memref<64x32x128xf32, #tpu.memory_space<vmem>>) dst(%dma_wait3A_1097 : memref<64x32x128xf32, #tpu.memory_space<hbm>>)
    %dma_wait3A_1102 = arith.constant 3520 : i32
    %dma_wait3A_1103 = arith.constant 0 : i32
    %dma_wait3A_1104 = arith.constant 0 : i32
    %dma_wait3A_1105 = tpu.memref_slice %arg2[%dma_wait3A_1102, %dma_wait3A_1103, %dma_wait3A_1104] : memref<4096x32x128xf32, #tpu.memory_space<hbm>> -> memref<64x32x128xf32, #tpu.memory_space<hbm>>
    %dma_wait3A_1106 = arith.constant 64 : i32
    %dma_wait3A_1107 = arith.constant 5 : i32
    %dma_wait3A_1108 = arith.constant 0 : i32
    %dma_wait3A_1109 = tpu.memref_slice %arg3[%dma_wait3A_1106, %dma_wait3A_1107, %dma_wait3A_1108] : memref<128x64x128xf32, #tpu.memory_space<vmem>> -> memref<64x32x128xf32, #tpu.memory_space<vmem>>
    tpu.wait_dma2 semaphore(%arg4 : memref<!tpu.dma_semaphore, #tpu.memory_space<semaphore_mem>>) src(%dma_wait3A_1109 : memref<64x32x128xf32, #tpu.memory_space<vmem>>) dst(%dma_wait3A_1105 : memref<64x32x128xf32, #tpu.memory_space<hbm>>)
    %dma_wait3A_1110 = arith.constant 3584 : i32
    %dma_wait3A_1111 = arith.constant 0 : i32
    %dma_wait3A_1112 = arith.constant 0 : i32
    %dma_wait3A_1113 = tpu.memref_slice %arg2[%dma_wait3A_1110, %dma_wait3A_1111, %dma_wait3A_1112] : memref<4096x32x128xf32, #tpu.memory_space<hbm>> -> memref<64x32x128xf32, #tpu.memory_space<hbm>>
    %dma_wait3A_1114 = arith.constant 0 : i32
    %dma_wait3A_1115 = arith.constant 4 : i32
    %dma_wait3A_1116 = arith.constant 0 : i32
    %dma_wait3A_1117 = tpu.memref_slice %arg3[%dma_wait3A_1114, %dma_wait3A_1115, %dma_wait3A_1116] : memref<128x64x128xf32, #tpu.memory_space<vmem>> -> memref<64x32x128xf32, #tpu.memory_space<vmem>>
    tpu.wait_dma2 semaphore(%arg4 : memref<!tpu.dma_semaphore, #tpu.memory_space<semaphore_mem>>) src(%dma_wait3A_1117 : memref<64x32x128xf32, #tpu.memory_space<vmem>>) dst(%dma_wait3A_1113 : memref<64x32x128xf32, #tpu.memory_space<hbm>>)
    %dma_wait3A_1118 = arith.constant 3648 : i32
    %dma_wait3A_1119 = arith.constant 0 : i32
    %dma_wait3A_1120 = arith.constant 0 : i32
    %dma_wait3A_1121 = tpu.memref_slice %arg2[%dma_wait3A_1118, %dma_wait3A_1119, %dma_wait3A_1120] : memref<4096x32x128xf32, #tpu.memory_space<hbm>> -> memref<64x32x128xf32, #tpu.memory_space<hbm>>
    %dma_wait3A_1122 = arith.constant 64 : i32
    %dma_wait3A_1123 = arith.constant 4 : i32
    %dma_wait3A_1124 = arith.constant 0 : i32
    %dma_wait3A_1125 = tpu.memref_slice %arg3[%dma_wait3A_1122, %dma_wait3A_1123, %dma_wait3A_1124] : memref<128x64x128xf32, #tpu.memory_space<vmem>> -> memref<64x32x128xf32, #tpu.memory_space<vmem>>
    tpu.wait_dma2 semaphore(%arg4 : memref<!tpu.dma_semaphore, #tpu.memory_space<semaphore_mem>>) src(%dma_wait3A_1125 : memref<64x32x128xf32, #tpu.memory_space<vmem>>) dst(%dma_wait3A_1121 : memref<64x32x128xf32, #tpu.memory_space<hbm>>)
    %dma_wait3A_1126 = arith.constant 3712 : i32
    %dma_wait3A_1127 = arith.constant 0 : i32
    %dma_wait3A_1128 = arith.constant 0 : i32
    %dma_wait3A_1129 = tpu.memref_slice %arg2[%dma_wait3A_1126, %dma_wait3A_1127, %dma_wait3A_1128] : memref<4096x32x128xf32, #tpu.memory_space<hbm>> -> memref<64x32x128xf32, #tpu.memory_space<hbm>>
    %dma_wait3A_1130 = arith.constant 0 : i32
    %dma_wait3A_1131 = arith.constant 3 : i32
    %dma_wait3A_1132 = arith.constant 0 : i32
    %dma_wait3A_1133 = tpu.memref_slice %arg3[%dma_wait3A_1130, %dma_wait3A_1131, %dma_wait3A_1132] : memref<128x64x128xf32, #tpu.memory_space<vmem>> -> memref<64x32x128xf32, #tpu.memory_space<vmem>>
    tpu.wait_dma2 semaphore(%arg4 : memref<!tpu.dma_semaphore, #tpu.memory_space<semaphore_mem>>) src(%dma_wait3A_1133 : memref<64x32x128xf32, #tpu.memory_space<vmem>>) dst(%dma_wait3A_1129 : memref<64x32x128xf32, #tpu.memory_space<hbm>>)
    %dma_wait3A_1134 = arith.constant 3776 : i32
    %dma_wait3A_1135 = arith.constant 0 : i32
    %dma_wait3A_1136 = arith.constant 0 : i32
    %dma_wait3A_1137 = tpu.memref_slice %arg2[%dma_wait3A_1134, %dma_wait3A_1135, %dma_wait3A_1136] : memref<4096x32x128xf32, #tpu.memory_space<hbm>> -> memref<64x32x128xf32, #tpu.memory_space<hbm>>
    %dma_wait3A_1138 = arith.constant 64 : i32
    %dma_wait3A_1139 = arith.constant 3 : i32
    %dma_wait3A_1140 = arith.constant 0 : i32
    %dma_wait3A_1141 = tpu.memref_slice %arg3[%dma_wait3A_1138, %dma_wait3A_1139, %dma_wait3A_1140] : memref<128x64x128xf32, #tpu.memory_space<vmem>> -> memref<64x32x128xf32, #tpu.memory_space<vmem>>
    tpu.wait_dma2 semaphore(%arg4 : memref<!tpu.dma_semaphore, #tpu.memory_space<semaphore_mem>>) src(%dma_wait3A_1141 : memref<64x32x128xf32, #tpu.memory_space<vmem>>) dst(%dma_wait3A_1137 : memref<64x32x128xf32, #tpu.memory_space<hbm>>)
    %dma_wait3A_1142 = arith.constant 3840 : i32
    %dma_wait3A_1143 = arith.constant 0 : i32
    %dma_wait3A_1144 = arith.constant 0 : i32
    %dma_wait3A_1145 = tpu.memref_slice %arg2[%dma_wait3A_1142, %dma_wait3A_1143, %dma_wait3A_1144] : memref<4096x32x128xf32, #tpu.memory_space<hbm>> -> memref<64x32x128xf32, #tpu.memory_space<hbm>>
    %dma_wait3A_1146 = arith.constant 0 : i32
    %dma_wait3A_1147 = arith.constant 2 : i32
    %dma_wait3A_1148 = arith.constant 0 : i32
    %dma_wait3A_1149 = tpu.memref_slice %arg3[%dma_wait3A_1146, %dma_wait3A_1147, %dma_wait3A_1148] : memref<128x64x128xf32, #tpu.memory_space<vmem>> -> memref<64x32x128xf32, #tpu.memory_space<vmem>>
    tpu.wait_dma2 semaphore(%arg4 : memref<!tpu.dma_semaphore, #tpu.memory_space<semaphore_mem>>) src(%dma_wait3A_1149 : memref<64x32x128xf32, #tpu.memory_space<vmem>>) dst(%dma_wait3A_1145 : memref<64x32x128xf32, #tpu.memory_space<hbm>>)
    %dma_wait3A_1150 = arith.constant 3904 : i32
    %dma_wait3A_1151 = arith.constant 0 : i32
    %dma_wait3A_1152 = arith.constant 0 : i32
    %dma_wait3A_1153 = tpu.memref_slice %arg2[%dma_wait3A_1150, %dma_wait3A_1151, %dma_wait3A_1152] : memref<4096x32x128xf32, #tpu.memory_space<hbm>> -> memref<64x32x128xf32, #tpu.memory_space<hbm>>
    %dma_wait3A_1154 = arith.constant 64 : i32
    %dma_wait3A_1155 = arith.constant 2 : i32
    %dma_wait3A_1156 = arith.constant 0 : i32
    %dma_wait3A_1157 = tpu.memref_slice %arg3[%dma_wait3A_1154, %dma_wait3A_1155, %dma_wait3A_1156] : memref<128x64x128xf32, #tpu.memory_space<vmem>> -> memref<64x32x128xf32, #tpu.memory_space<vmem>>
    tpu.wait_dma2 semaphore(%arg4 : memref<!tpu.dma_semaphore, #tpu.memory_space<semaphore_mem>>) src(%dma_wait3A_1157 : memref<64x32x128xf32, #tpu.memory_space<vmem>>) dst(%dma_wait3A_1153 : memref<64x32x128xf32, #tpu.memory_space<hbm>>)
    %dma_wait3A_1158 = arith.constant 3968 : i32
    %dma_wait3A_1159 = arith.constant 0 : i32
    %dma_wait3A_1160 = arith.constant 0 : i32
    %dma_wait3A_1161 = tpu.memref_slice %arg2[%dma_wait3A_1158, %dma_wait3A_1159, %dma_wait3A_1160] : memref<4096x32x128xf32, #tpu.memory_space<hbm>> -> memref<64x32x128xf32, #tpu.memory_space<hbm>>
    %dma_wait3A_1162 = arith.constant 0 : i32
    %dma_wait3A_1163 = arith.constant 1 : i32
    %dma_wait3A_1164 = arith.constant 0 : i32
    %dma_wait3A_1165 = tpu.memref_slice %arg3[%dma_wait3A_1162, %dma_wait3A_1163, %dma_wait3A_1164] : memref<128x64x128xf32, #tpu.memory_space<vmem>> -> memref<64x32x128xf32, #tpu.memory_space<vmem>>
    tpu.wait_dma2 semaphore(%arg4 : memref<!tpu.dma_semaphore, #tpu.memory_space<semaphore_mem>>) src(%dma_wait3A_1165 : memref<64x32x128xf32, #tpu.memory_space<vmem>>) dst(%dma_wait3A_1161 : memref<64x32x128xf32, #tpu.memory_space<hbm>>)
    %dma_wait3A_1166 = arith.constant 4032 : i32
    %dma_wait3A_1167 = arith.constant 0 : i32
    %dma_wait3A_1168 = arith.constant 0 : i32
    %dma_wait3A_1169 = tpu.memref_slice %arg2[%dma_wait3A_1166, %dma_wait3A_1167, %dma_wait3A_1168] : memref<4096x32x128xf32, #tpu.memory_space<hbm>> -> memref<64x32x128xf32, #tpu.memory_space<hbm>>
    %dma_wait3A_1170 = arith.constant 64 : i32
    %dma_wait3A_1171 = arith.constant 1 : i32
    %dma_wait3A_1172 = arith.constant 0 : i32
    %dma_wait3A_1173 = tpu.memref_slice %arg3[%dma_wait3A_1170, %dma_wait3A_1171, %dma_wait3A_1172] : memref<128x64x128xf32, #tpu.memory_space<vmem>> -> memref<64x32x128xf32, #tpu.memory_space<vmem>>
    tpu.wait_dma2 semaphore(%arg4 : memref<!tpu.dma_semaphore, #tpu.memory_space<semaphore_mem>>) src(%dma_wait3A_1173 : memref<64x32x128xf32, #tpu.memory_space<vmem>>) dst(%dma_wait3A_1169 : memref<64x32x128xf32, #tpu.memory_space<hbm>>)
    return
  }
  func.func @transform_0(%arg0: i32) -> (i32, i32) {
    %c0_i32 = arith.constant 0 : i32
    %c0_i32_0 = arith.constant 0 : i32
    %c0_i32_1 = arith.constant 0 : i32
    return %c0_i32, %c0_i32_0 : i32, i32
  }
}

</mosaic_0001>

<sc_bundles>
// kernel: _bias.4.cloned.1.call-start
scs
__scs_entry_jumppad:
0x0: {  	(pc) =	sbr.rel $0x88, $3  }
0x1: {  	(tag) =	ssettag $0x0;
	lr =	simm.s32 $0x1  }
0x2: {  	[smem:$0x3FA0] =	sst lr;
	_ =	strace $0xD0000000  }
0x3: {  	_ = 	snop  }
0x4: {  	_ = 	snop  }
0x5: {  	_ = 	snop  }
0x6: {  	_ = 	snop  }
0x7: {  	_ = 	snop  }
__scs_overlays_trampoline_lowered:
0x8: {  	[smem:$0x3FAF] =	sst s0  }
0x9: {  	[smem:$0x3FB0] =	sst s1  }
0xa: {  	[smem:$0x3FB1] =	sst s2  }
0xb: {  	[smem:$0x3FB2] =	sst s3  }
0xc: {  	[smem:$0x3FB3] =	sst s4  }
0xd: {  	[smem:$0x3FB4] =	sst s5  }
0xe: {  	[smem:$0x3FB5] =	sst s6  }
0xf: {  	[smem:$0x3FB6] =	sst s7  }
0x10: {  	[smem:$0x3FB7] =	sst s8  }
0x11: {  	[smem:$0x3FB8] =	sst s9;
	s0 =	simm.s32 @!p0 $0x0  }
0x12: {  	s1 =	sld [smem:$0x3F9E];
	s0 =	simm.s32 @p0 $0x1  }
0x13: {  	[smem:$0x3FB9] =	sst s0;
	s0 =	simm.s32 @!p1 $0x0  }
0x14: {  	s2 =	sld [smem:$0x3F9D];
	s0 =	simm.s32 @p1 $0x1  }
0x15: {  	[smem:$0x3FBA] =	sst s0;
	s0 =	simm.s32 @!p2 $0x0  }
0x16: {  	s3 =	sld [smem:$0x3FDB];
	s0 =	simm.s32 @p2 $0x1  }
0x17: {  	s4 =	simm.s32 $0x1BF5;
	[smem:$0x3FBC] =	sst s0  }
0x18: {  	s0 =	sld [smem:$0x3F9F];
	_ =	swait.ge [sflag:s4], $0x0  }
0x19: {  	s7 =	sld [smem:$0x3FA0]  }
0x1a: {  	s8 =	sadd.s32 $0xFFFFE003, lr  }
0x1b: {  	s9 =	sadd.s32 $0xFFFFFEF7, lr;
	s5 =	simm.s32 $0xFFFFFFFF;
	p2 =	slt.u32 s8, $0xFFFFF086  }
0x1c: {  	p1 =	slt.u32 s9, $0xF7A;
	s5 =	simm.s32 @!p2 $0x0  }
0x1d: {  	s5 =	simm.s32 @p1 $0x1;
	p0 =	seq.s32 s7, s2  }
0x1e: {  	s7 =	smul.u32 @!p0 $0xF7A, s2;
	p2 =	seq.s32 @!p0 s5, $0x0  }
0x1f: {  	s9 =	smul.u32 $0xF7A, s1;
	s8 =	simm.s32 @!p0 $0x1BF5;
	p2 =	por !p2, p0  }
0x20: {  	[sflag:s8] =	ssyncset.s32 @!p0 $0xFFFFF086;
	s6 =	sadd.s32 @!p0 s3, s7;
	s7 =	simm.s32 @!p0 $0x108  }
0x21: {  	s3 =	sadd.s32 s3, s9;
	s6 =	sadd.s32 @!p0 $0x88, s6;
	s7 =	simm.s32 @p2 $0x1082  }
0x22: {  	[simem:s7], [sflag:s8] =	dma.local @!p0 [hbm:s6], $0xF7A  }
0x23: {  	s9 =	sor.u32 $0xD0000000, s2;
	s6 =	simm.s32 $0x108;
	_ =	swait.ge @!p0 [sflag:s8], $0x0  }
0x24: {  	s3 =	sadd.s32 $0x88, s3;
	s6 =	simm.s32 @!p1 $0x1082;
	[sflag:s4] =	ssyncset.s32 $0xFFFFF086  }
0x25: {  	[simem:s6], [sflag:s4] =	dma.local [hbm:s3], $0xF7A  }
0x26: {  	[smem:$0x3FA0] =	sst s1;
	(tag) =	ssettag s2;
	_ =	strace s9  }
0x27: {  	s1 =	sld [smem:$0x3FB0]  }
0x28: {  	s2 =	sld [smem:$0x3FB1]  }
0x29: {  	s4 =	sld [smem:$0x3FB3]  }
0x2a: {  	p0 =	seq.s32 s5, $0x0;
	s5 =	sld [smem:$0x3FB4]  }
0x2b: {  	s6 =	sld [smem:$0x3FB5]  }
0x2c: {  	s7 =	sld [smem:$0x3FB6]  }
0x2d: {  	s3 =	simm.s32 $0x108;
	s8 =	sld [smem:$0x3FB7]  }
0x2e: {  	s3 =	simm.s32 @!p0 $0x1082;
	s9 =	sld [smem:$0x3FB8]  }
0x2f: {  	lr =	sadd.s32 s0, s3;
	s0 =	sld [smem:$0x3FAF]  }
0x30: {  	s3 =	sld [smem:$0x3FB2]  }
0x31: {  	[smem:$0x3FBB] =	sst s10  }
0x32: {  	s10 =	sld [smem:$0x3FB9];
	_ =	sdelay $0x3  }
0x33: {  	p0 =	seq.s32 s10, $0x1;
	s10 =	sld [smem:$0x3FBB];
	_ =	sdelay $0x3  }
0x34: {  	[smem:$0x3FBB] =	sst s10  }
0x35: {  	s10 =	sld [smem:$0x3FBA];
	_ =	sdelay $0x3  }
0x36: {  	p1 =	seq.s32 s10, $0x1;
	s10 =	sld [smem:$0x3FBB];
	_ =	sdelay $0x3  }
0x37: {  	[smem:$0x3FBB] =	sst s10  }
0x38: {  	s10 =	sld [smem:$0x3FBC]  }
0x39: {  	_ = 	snop;
	(pc) =	sbr.ind lr, $3  }
0x3a: {  	_ = 	snop  }
0x3b: {  	_ = 	snop  }
0x3c: {  	p2 =	seq.s32 s10, $0x1;
	s10 =	sld [smem:$0x3FBB]  }
0x3d: {  	_ =	shalt  }
0x3e: {  	_ =	shalt  }
0x3f: {  	_ =	shalt  }
0x40: {  	_ =	shalt  }
0x41: {  	_ =	shalt  }
0x42: {  	_ =	shalt  }
0x43: {  	_ =	shalt  }
0x44: {  	_ =	shalt  }
0x45: {  	_ =	shalt  }
0x46: {  	_ =	shalt  }
0x47: {  	_ =	shalt  }
0x48: {  	_ =	shalt  }
0x49: {  	_ =	shalt  }
0x4a: {  	_ =	shalt  }
0x4b: {  	_ =	shalt  }
0x4c: {  	_ =	shalt  }
0x4d: {  	_ =	shalt  }
0x4e: {  	_ =	shalt  }
0x4f: {  	_ =	shalt  }
0x50: {  	_ =	shalt  }
0x51: {  	_ =	shalt  }
0x52: {  	_ =	shalt  }
0x53: {  	_ =	shalt  }
0x54: {  	_ =	shalt  }
0x55: {  	_ =	shalt  }
0x56: {  	_ =	shalt  }
0x57: {  	_ =	shalt  }
0x58: {  	_ =	shalt  }
0x59: {  	_ =	shalt  }
0x5a: {  	_ =	shalt  }
0x5b: {  	_ =	shalt  }
0x5c: {  	_ =	shalt  }
0x5d: {  	_ =	shalt  }
0x5e: {  	_ =	shalt  }
0x5f: {  	_ =	shalt  }
0x60: {  	_ =	shalt  }
0x61: {  	_ =	shalt  }
0x62: {  	_ =	shalt  }
0x63: {  	_ =	shalt  }
0x64: {  	_ =	shalt  }
0x65: {  	_ =	shalt  }
0x66: {  	_ =	shalt  }
0x67: {  	_ =	shalt  }
0x68: {  	_ =	shalt  }
0x69: {  	_ =	shalt  }
0x6a: {  	_ =	shalt  }
0x6b: {  	_ =	shalt  }
0x6c: {  	_ =	shalt  }
0x6d: {  	_ =	shalt  }
0x6e: {  	_ =	shalt  }
0x6f: {  	_ =	shalt  }
0x70: {  	_ =	shalt  }
0x71: {  	_ =	shalt  }
0x72: {  	_ =	shalt  }
0x73: {  	_ =	shalt  }
0x74: {  	_ =	shalt  }
0x75: {  	_ =	shalt  }
0x76: {  	_ =	shalt  }
0x77: {  	_ =	shalt  }
0x78: {  	_ =	shalt  }
0x79: {  	_ =	shalt  }
0x7a: {  	_ =	shalt  }
0x7b: {  	_ =	shalt  }
0x7c: {  	_ =	shalt  }
0x7d: {  	_ =	shalt  }
0x7e: {  	_ =	shalt  }
0x7f: {  	_ =	shalt  }
0x80: {  	_ =	shalt  }
0x81: {  	_ =	shalt  }
0x82: {  	_ =	shalt  }
0x83: {  	_ =	shalt  }
0x84: {  	_ =	shalt  }
0x85: {  	_ =	shalt  }
0x86: {  	_ =	shalt  }
0x87: {  	_ =	shalt  }
.Lfunc_end0:
.L_simem_size_0:
called_computation_lowered:
.L_overlay_start_0:
0x88: {  	s2 =	sld [smem:$0x3FD9]  }
0x89: {  	s3 =	sld [smem:$0x3FFE];
	_ =	sdelay $0x1  }
0x8a: {  	s1 =	srdreg.scid  }
0x8b: {  	s0 =	sand.u32 $0x1, s1  }
0x8c: {  	s18 =	sshll.u32 s0, $0xA;
	s2 =	sadd.s32 s3, s2  }
0x8d: {  	s2 =	sadd.s32 s2, s18  }
0x8e: {  	[smem:$0x3FC7] =	sst s2  }
0x8f: {  	_ = 	snop  }
0x90: {  	s2 =	sld [smem:$0x3FC9]  }
0x91: {  	s19 =	sld [smem:$0x3FD0];
	(tm) =	ssettm $0x1  }
0x92: {  	s4 =	sld [smem:$0x3FFB];
	_ =	sdelay $0x3  }
0x93: {  	_ =	strace s4  }
0x94: {  	s4 =	sld [smem:$0x3FFC];
	_ =	sdelay $0x3  }
0x95: {  	_ =	strace s4  }
0x96: {  	s4 =	sld [smem:$0x3FFD];
	_ =	sdelay $0x3  }
0x97: {  	_ =	strace s4  }
0x98: {  	_ =	strace $0x8FFFFFFF  }
0x99: {  	s20 =	sld [smem:$0x3FDB];
	_ =	sdelay $0x1  }
0x9a: {  	s5 =	simm.s32 $_scs_section_size  }
0x9b: {  	s6 =	simm.s32 $_size__tile_overlayer_lowered;
	s7 =	simm.s32 $_tile_overlayer_lowered  }
0x9c: {  	s23 =	simm.s32 $0x1BFF;
	s22 =	sshll.u32 s7, $0x1;
	s4 =	sadd.s32 s5, s20  }
0x9d: {  	s8 =	simm.s32 $0x0;
	s21 =	sshll.u32 s6, $0x1;
	s6 =	sadd.s32 s22, s4  }
0x9e: {  	[timem:s8], [sflag:s23] =	dma.local [hbm:s6], s21  }
0x9f: {  	_ =	swait.ge [sflag:s23], s21  }
0xa0: {  	s5 =	ssub.s32 $0x0, s21;
	[sflag:s23] =	ssyncset.done $0x0  }
0xa1: {  	[sflag:s23] =	ssyncadd.s32 s5;
	_ =	sdelay $0x1  }
0xa2: {  	s24 =	simm.s32 $0x1B8B  }
0xa3: {  	_ =	swait.ge [sflag:s24], $0x1  }
0xa4: {  	[sflag:s24] =	ssyncset.done $0x0  }
0xa5: {  	s25 =	simm.s32 $0x1B8E;
	[sflag:s24] =	ssyncadd.s32 $0xFFFFFFFF  }
0xa6: {  	s26 =	simm.s32 $execute0_lowered;
	[smem:$0x3FD2] =	sst s25  }
0xa7: {  	s5 =	sshll.u32 s26, $0x1;
	_ =	strace $0x80000046;
	[dreg:$0x1] =	wrdreg $0xFFFFFFFF  }
0xa8: {  	s28 =	simm.s32 $_size_execute0_lowered;
	s4 =	sadd.s32 s4, s5;
	[dreg:$0x0] =	wrdreg $0x0  }
0xa9: {  	s5 =	sshll.u32 s28, $0x1;
	[dreg:$0x2] =	wrdreg s4  }
0xaa: {  	[dreg:$0x3] =	wrdreg s5  }
0xab: {  	[dreg:$0x4] =	wrdreg $0xC0  }
0xac: {  	_ =	task [dreg:s8], $0x5FFFF  }
0xad: {  	[dreg:$0x1] =	wrdreg $0xFFFFFFFF  }
0xae: {  	[dreg:$0x0] =	wrdreg $0x60  }
0xaf: {  	[dreg:$0x2] =	wrdreg s2  }
0xb0: {  	[dreg:$0x3] =	wrdreg s19  }
0xb1: {  	[dreg:$0x4] =	wrdreg $0x9  }
0xb2: {  	_ =	task.clear_ibuf [dreg:s8], $0x5FFFF;
	_ =	strace $0x90000046  }
0xb3: {  	s29 =	simm.s32 $0x9;
	_ =	strace $0x80000048  }
0xb4: {  	_ =	swait.ge [sflag:s29], $0x1  }
0xb5: {  	[sflag:s29] =	ssyncadd.s32 $0xFFFFFFFF  }
0xb6: {  	_ =	strace $0x90000048  }
0xb7: {  	_ =	sfence  }
0xb8: {  	s30 =	sld [smem:$0x0];
	_ =	sdelay $0x2  }
0xb9: {  	s31 =	sshll.u32 s1, $0xD;
	s1 =	sshrl.u32 s1, $0x2  }
0xba: {  	s3 =	sand.u32 $0x4000, s31;
	s1 =	sadd.s32 s1, s30  }
0xbb: {  	s0 =	sor.u32 s3, s0;
	s1 =	sshll.u32 s1, $0x11  }
0xbc: {  	s0 =	sor.u32 s1, s0  }
0xbd: {  	s0 =	sadd.s32 $0x8F2B, s0  }
0xbe: {  	[sflag:s0] =	ssyncadd.remote.s32 $0x1  }
0xbf: {  	_ =	sfence.sel $0xFFFF  }
0xc0: {  	[dreg:$0x0] =	wrdreg $0xFFFFFFFF;
	(pc) =	sbr.abs _section_cstart, $3  }
0xc1: {  	[dreg:$0x1] =	wrdreg $0xFFFFFFFF  }
0xc2: {  	_ =	task.clear_ibuf [dreg:s8], $0x2FFFF;
	_ =	strace $0x9FFFFFFF  }
0xc3: {  	(tm) =	ssettm $0x7FFFFFFF  }
tec
execute0_lowered:
.L_overlay_start_1:
0x0: {  	(tag) =	ssettag $0x1  }
0x1: {  	s1 =	rddreg [dreg:$0x0]  }
0x2: {  	s5 =	rddreg [dreg:$0x1]  }
0x3: {  	s0 =	rddreg [dreg:$0x2];
	s4 =	srdreg.scid  }
0x4: {  	s3 =	simm.s32 $0x0;
	s2 =	stileid.u32;
	s9 =	simm.s32 $0x1  }
0x5: {  	s10 =	simm.s32 $0x0;
	s4 =	sand.u32 $0x1, s4;
	s7 =	sshll.u32 s2, $0x9  }
0x6: {  	[smem:$0x7FF] =	sst s3;
	s6 =	ssub.s32 $0x2, s4;
	s4 =	sshll.u32 s4, $0x8  }
0x7: {  	_ =	strace $0x80000047;
	s8 =	sshrl.u32 s6, $0x1;
	s4 =	sor.u32 s4, s7  }
0x8: {  	v0 =	vlaneseq.u32;
	s6 =	ssub.s32 s6, s8;
	s7 =	sshrl.u32 s4, $0x3;
	s8 =	simm.s32 $0x80  }
0x9: {  	v1 =	vimm.s32 $0x10;
	v2 =	vimm.s32 $0x0;
	v0 =	vadd.s32 $0xFFFFF001, v0;
	s5 =	sadd.s32 s5, s7;
	s6 =	smax.u32 s6, $0x1;
	s7 =	simm.s32 $0x2  }
.LBB2_1:
0xa: {  	s11 =	sor.u32 s4, s3  }
0xb: {  	s30 =	simm.s32 $0x10;
	v4 =	vadd.s32 s11, v0  }
0xc: {  	s11 =	sor.u32 s4, s30;
	v3 =	vsub.s32 $0x0, v4  }
0xd: {  	v7 =	vadd.s32 s11, v0;
	v5 =	vmin.u32 v4, v3  }
0xe: {  	v9 =	vsub.s32 $0x0, v7;
	vm0 =	vgt.s32 v5, $0x12;
	vm1 =	vgt.s32 v5, $0x15  }
0xf: {  	vm2 =	vgt.s32 v5, $0x18;
	vm11 =	vgt.s32 v5, $0x1B;
	vm12 =	vgt.s32 v5, $0x1F  }
0x10: {  	vm13 =	vgt.s32 v5, $0x24;
	vm14 =	vgt.s32 v5, $0x2A;
	vm15 =	vgt.s32 v5, $0x30  }
0x11: {  	vm4 =	vgt.s32 v5, $0x37;
	vm5 =	vgt.s32 v5, $0x3F;
	vm6 =	vgt.s32 v5, $0x49  }
0x12: {  	vm7 =	vgt.s32 v5, $0x54;
	v3 =	vsel vm0, $0x11, v1;
	v6 =	vsel vm1, $0x1, v2  }
0x13: {  	vm8 =	vgt.s32 v5, $0x61;
	v3 =	vadd.s32 v6, v3;
	v6 =	vsel vm2, $0x1, v2  }
0x14: {  	vm9 =	vgt.s32 v5, $0x6F;
	v3 =	vadd.s32 v6, v3;
	v6 =	vsel vm11, $0x1, v2  }
0x15: {  	vm10 =	vgt.s32 v5, $0x7F;
	v3 =	vadd.s32 v6, v3;
	v6 =	vsel vm12, $0x1, v2  }
0x16: {  	v9 =	vmin.u32 v7, v9;
	v3 =	vadd.s32 v6, v3;
	v6 =	vsel vm13, $0x1, v2  }
0x17: {  	v7 =	vshrl.u32 v7, $0x1B;
	v3 =	vadd.s32 v6, v3;
	v6 =	vsel vm14, $0x1, v2  }
0x18: {  	v8 =	vsel vm10, $0x1, v2;
	v3 =	vadd.s32 v6, v3;
	v6 =	vsel vm15, $0x1, v2  }
0x19: {  	vm3 =	vgt.s32 v9, $0x12;
	v3 =	vadd.s32 v6, v3;
	v6 =	vsel vm4, $0x1, v2  }
0x1a: {  	vm10 =	vgt.s32 v9, $0x49;
	v3 =	vadd.s32 v6, v3;
	v6 =	vsel vm5, $0x1, v2  }
0x1b: {  	vm11 =	vlt.s32 v5, $0x10;
	v3 =	vadd.s32 v6, v3;
	v6 =	vsel vm6, $0x1, v2  }
0x1c: {  	vm12 =	vgt.s32 v9, $0x1B;
	v3 =	vadd.s32 v6, v3;
	v6 =	vsel vm7, $0x1, v2  }
0x1d: {  	vm13 =	vgt.s32 v9, $0x1F;
	v3 =	vadd.s32 v6, v3;
	v6 =	vsel vm8, $0x1, v2  }
0x1e: {  	vm15 =	vgt.s32 v9, $0x15;
	v3 =	vadd.s32 v6, v3;
	v6 =	vsel vm9, $0x1, v2  }
0x1f: {  	vm4 =	vgt.s32 v9, $0x18;
	v10 =	vsel vm15, $0x1, v2;
	v6 =	vadd.s32 v6, v3  }
0x20: {  	vm5 =	vgt.s32 v9, $0x24;
	v6 =	vadd.s32 v8, v6;
	v8 =	vshrl.u32 v4, $0x1B  }
0x21: {  	v5 =	vsel vm11, v5, v6;
	v6 =	vand.u32 $0x10, v8;
	v8 =	vsel vm3, $0x11, v1  }
0x22: {  	vm6 =	vgt.s32 v9, $0x2A;
	v5 =	vadd.s32 v6, v5;
	v8 =	vadd.s32 v10, v8  }
0x23: {  	v10 =	vsel vm4, $0x1, v2;
	vm14 =	vlt.s32 v5, $0x1F;
	vm4 =	vgt.s32 v5, $0xF  }
0x24: {  	[tilespmem:s3], [sflag:$0x2] =	stream.linear.gather [hbm4b:s1+s3], $0x80, $0x38;
	v6 =	vnsel vm14, $0x1F, v5;
	v5 =	vadd.s32 v10, v8;
	v8 =	vsel vm12, $0x1, v2;
	[tilespmem:$0x180] =	vst v63  }
0x25: {  	_ =	swait.ge [sflag:s7], $0x80;
	vm7 =	vgt.s32 v9, $0x30;
	v5 =	vadd.s32 v8, v5;
	v8 =	vsel vm13, $0x1, v2  }
0x26: {  	[sflag:s7] =	ssyncset.done $0x0;
	vm8 =	vgt.s32 v9, $0x37;
	v5 =	vadd.s32 v8, v5;
	v8 =	vsel vm5, $0x1, v2  }
0x27: {  	[sflag:s7] =	ssyncadd.s32 $0xFFFFFF80;
	vm9 =	vgt.s32 v9, $0x3F;
	v5 =	vadd.s32 v8, v5;
	v8 =	vsel vm6, $0x1, v2  }
0x28: {  	v4 =	vld [tilespmem:$0x10];
	vm11 =	vgt.s32 v9, $0x54;
	v5 =	vadd.s32 v8, v5;
	v8 =	vsel vm7, $0x1, v2  }
0x29: {  	v3 =	vld [tilespmem:$0x0];
	vm12 =	vgt.s32 v9, $0x61;
	v5 =	vadd.s32 v8, v5;
	v8 =	vsel vm8, $0x1, v2  }
0x2a: {  	vm14 =	vgt.s32 v9, $0x7F;
	v5 =	vadd.s32 v8, v5;
	v8 =	vsel vm9, $0x1, v2  }
0x2b: {  	v6 =	vand.u32 $0xF, v6;
	v5 =	vadd.s32 v8, v5;
	v8 =	vsel vm10, $0x1, v2  }
0x2c: {  	vm13 =	vgt.s32 v9, $0x6F;
	v5 =	vadd.s32 v8, v5;
	v8 =	vsel vm11, $0x1, v2  }
0x2d: {  	v11 =	vperm.xlane v4, v6;
	v5 =	vadd.s32 v8, v5;
	v8 =	vsel vm12, $0x1, v2  }
0x2e: {  	s31 =	simm.s32 $0x20;
	v6 =	vperm.xlane v3, v6;
	v10 =	vsel vm13, $0x1, v2;
	v8 =	vadd.s32 v8, v5  }
0x2f: {  	s11 =	sor.u32 s4, s31;
	vm15 =	vlt.s32 v9, $0x10;
	v8 =	vadd.s32 v10, v8;
	v10 =	vsel vm14, $0x1, v2  }
0x30: {  	v6 =	vsel vm4, v11, v6;
	v5 =	vadd.s32 s11, v0;
	v10 =	vadd.s32 v10, v8  }
0x31: {  	s12 =	simm.s32 $0x30;
	v7 =	vand.u32 $0x10, v7;
	[tilespmem:s8+$0x0] =	vst v6;
	s11 =	simm.s32 $0x80;
	v8 =	vsub.s32 $0x0, v5;
	v6 =	vsel vm15, v9, v10  }
.LBB2_2:
0x32: {  	p0 =	sne.s32 s12, $0xF0;
	v9 =	vmin.u32 v5, v8;
	v6 =	vadd.s32 v7, v6  }
0x33: {  	vm0 =	vgt.s32 v9, $0x1B;
	vm1 =	vgt.s32 v9, $0x1F;
	vm2 =	vlt.s32 v6, $0x1F  }
0x34: {  	vm3 =	vgt.s32 v9, $0x12;
	vm4 =	vgt.s32 v9, $0x18;
	v7 =	vnsel vm2, $0x1F, v6  }
0x35: {  	v8 =	vsel vm3, $0x11, v1;
	vm2 =	vgt.s32 v9, $0x15;
	v7 =	vand.u32 $0xF, v7  }
0x36: {  	v10 =	vsel vm2, $0x1, v2;
	v11 =	vperm.xlane v4, v7;
	v7 =	vperm.xlane v3, v7  }
0x37: {  	vm2 =	vgt.s32 v6, $0xF;
	v8 =	vadd.s32 v10, v8;
	v10 =	vsel vm4, $0x1, v2  }
0x38: {  	s11 =	sadd.s32 $0x10, s11;
	v6 =	vadd.s32 v10, v8;
	v8 =	vsel vm0, $0x1, v2;
	v7 =	vsel vm2, v11, v7  }
0x39: {  	vm0 =	vgt.s32 v9, $0x24;
	v6 =	vadd.s32 v8, v6;
	v8 =	vsel vm1, $0x1, v2;
	[tilespmem:s11+$0x0] =	vst v7  }
0x3a: {  	v6 =	vadd.s32 v8, v6;
	v7 =	vsel vm0, $0x1, v2;
	vm0 =	vgt.s32 v9, $0x2A  }
0x3b: {  	v6 =	vadd.s32 v7, v6;
	v7 =	vsel vm0, $0x1, v2;
	vm0 =	vgt.s32 v9, $0x30  }
0x3c: {  	v6 =	vadd.s32 v7, v6;
	v7 =	vsel vm0, $0x1, v2;
	vm0 =	vgt.s32 v9, $0x37  }
0x3d: {  	v6 =	vadd.s32 v7, v6;
	v7 =	vsel vm0, $0x1, v2;
	vm0 =	vgt.s32 v9, $0x3F  }
0x3e: {  	v6 =	vadd.s32 v7, v6;
	v7 =	vsel vm0, $0x1, v2;
	vm0 =	vgt.s32 v9, $0x49  }
0x3f: {  	v6 =	vadd.s32 v7, v6;
	v7 =	vsel vm0, $0x1, v2;
	vm0 =	vgt.s32 v9, $0x54  }
0x40: {  	v6 =	vadd.s32 v7, v6;
	v7 =	vsel vm0, $0x1, v2;
	vm0 =	vgt.s32 v9, $0x61  }
.Ltmp0:
0x41: {  	v6 =	vadd.s32 v7, v6;
	v7 =	vsel vm0, $0x1, v2;
	vm0 =	vgt.s32 v9, $0x6F;
	(pc) =	sbr.rel @p0 .LBB2_2-.Ltmp0, $4  }
0x42: {  	s13 =	sor.u32 s4, s12;
	v6 =	vadd.s32 v7, v6;
	v7 =	vsel vm0, $0x1, v2;
	vm0 =	vgt.s32 v9, $0x7F  }
0x43: {  	v8 =	vadd.s32 s13, v0;
	v6 =	vadd.s32 v7, v6;
	v7 =	vsel vm0, $0x1, v2  }
0x44: {  	vm0 =	vlt.s32 v9, $0x10;
	v6 =	vadd.s32 v7, v6;
	v7 =	vshrl.u32 v5, $0x1B;
	v5 =	vmovc v8  }
0x45: {  	s12 =	sadd.s32 $0x10, s12;
	v8 =	vsub.s32 $0x0, v5;
	v6 =	vsel vm0, v9, v6;
	v7 =	vand.u32 $0x10, v7  }
0x46: {  	v8 =	vmin.u32 v5, v8  }
0x47: {  	vm0 =	vgt.s32 v8, $0x12;
	vm1 =	vgt.s32 v8, $0x15  }
0x48: {  	vm2 =	vgt.s32 v8, $0x18;
	v9 =	vsel vm0, $0x11, v1;
	v10 =	vsel vm1, $0x1, v2  }
0x49: {  	vm11 =	vgt.s32 v8, $0x1B;
	v45 =	vsel vm2, $0x1, v2;
	v9 =	vadd.s32 v10, v9  }
0x4a: {  	vm12 =	vgt.s32 v8, $0x1F;
	v46 =	vsel vm11, $0x1, v2;
	v9 =	vadd.s32 v45, v9  }
0x4b: {  	vm13 =	vgt.s32 v8, $0x24;
	v47 =	vsel vm12, $0x1, v2;
	v9 =	vadd.s32 v46, v9  }
0x4c: {  	vm14 =	vgt.s32 v8, $0x2A;
	v48 =	vsel vm13, $0x1, v2;
	v9 =	vadd.s32 v47, v9  }
0x4d: {  	vm15 =	vgt.s32 v8, $0x30;
	v49 =	vsel vm14, $0x1, v2;
	v9 =	vadd.s32 v48, v9  }
0x4e: {  	vm4 =	vgt.s32 v8, $0x37;
	v50 =	vsel vm15, $0x1, v2;
	v9 =	vadd.s32 v49, v9  }
0x4f: {  	vm5 =	vgt.s32 v8, $0x3F;
	v51 =	vsel vm4, $0x1, v2;
	v9 =	vadd.s32 v50, v9  }
0x50: {  	vm6 =	vgt.s32 v8, $0x49;
	v52 =	vsel vm5, $0x1, v2;
	v9 =	vadd.s32 v51, v9  }
0x51: {  	vm7 =	vgt.s32 v8, $0x54;
	v53 =	vsel vm6, $0x1, v2;
	v9 =	vadd.s32 v52, v9  }
0x52: {  	vm8 =	vgt.s32 v8, $0x61;
	v54 =	vsel vm7, $0x1, v2;
	v9 =	vadd.s32 v53, v9  }
0x53: {  	vm9 =	vgt.s32 v8, $0x6F;
	v55 =	vsel vm8, $0x1, v2;
	v9 =	vadd.s32 v54, v9  }
0x54: {  	vm10 =	vgt.s32 v8, $0x7F;
	v56 =	vsel vm9, $0x1, v2;
	v9 =	vadd.s32 v55, v9  }
0x55: {  	v57 =	vsel vm10, $0x1, v2;
	v9 =	vadd.s32 v56, v9  }
0x56: {  	v58 =	vshrl.u32 v5, $0x1B;
	vm11 =	vlt.s32 v8, $0x10;
	v9 =	vadd.s32 v57, v9  }
0x57: {  	v6 =	vadd.s32 v7, v6;
	v5 =	vand.u32 $0x10, v58;
	v59 =	vsel vm11, v8, v9  }
0x58: {  	vm12 =	vlt.s32 v6, $0x1F;
	v5 =	vadd.s32 v5, v59  }
0x59: {  	v60 =	vnsel vm12, $0x1F, v6;
	vm13 =	vlt.s32 v5, $0x1F  }
0x5a: {  	v7 =	vand.u32 $0xF, v60;
	v61 =	vnsel vm13, $0x1F, v5  }
0x5b: {  	v62 =	vperm.xlane v4, v7;
	v7 =	vperm.xlane v3, v7;
	v8 =	vand.u32 $0xF, v61  }
0x5c: {  	vm14 =	vgt.s32 v6, $0xF;
	v63 =	vperm.xlane v4, v8;
	v3 =	vperm.xlane v3, v8  }
0x5d: {  	s11 =	sadd.s32 $0x10, s11;
	s10 =	sadd.s32 $0x1, s10;
	v6 =	vsel vm14, v62, v7;
	vm15 =	vgt.s32 v5, $0xF  }
0x5e: {  	p0 =	sne.s32 s10, s6;
	[tilespmem:s11+$0x0] =	vst v6;
	s11 =	sadd.s32 $0x10, s11;
	v3 =	vsel vm15, v63, v3  }
.Ltmp1:
0x5f: {  	[tilespmem:s11+$0x0] =	vst v3;
	(pc) =	sbr.rel @p0 .LBB2_1-.Ltmp1, $4  }
0x60: {  	[hbm4b:s5+s3] =	stream.linear.scatter [tilespmem:s8], [sflag:$0x1], $0x100, $0x38;
	[tilespmem:$0x180] =	vst v63  }
0x61: {  	_ =	swait.ge [sflag:s9], $0x100  }
0x62: {  	[sflag:s9] =	ssyncset.done $0x0  }
0x63: {  	[sflag:s9] =	ssyncadd.s32 $0xFFFFFF00  }
0x64: {  	_ =	sfence.sel $0x180000  }
0x65: {  	[bflag:$0x0] =	sbarrier.arrive $0xFFFF  }
0x66: {  	p0 =	sne.s32 s2, $0x0;
	_ =	strace $0x90000047  }
0x67: {  	s0 =	sadd.s32 @!p0 $0x100000, s0;
	[bflag:$0x2] =	sbarrier.arrive $0xFFFF  }
0x68: {  	[sflag:s0] =	ssyncadd.tile.s32 @!p0 $0x1;
	_ =	shalt  }
.Lfunc_end2:
_tile_overlayer_lowered:
.L_overlay_start_2:
0x69: {  	(tag) =	ssettag $0x2  }
0x6a: {  	s0 =	rddreg [dreg:$0x0];
	s2 =	stileid.u32  }
0x6b: {  	s1 =	rddreg [dreg:$0x1];
	p0 =	sne.s32 s2, $0x0  }
0x6c: {  	s3 =	rddreg [dreg:$0x2];
	[bflag:$0x3] =	sbarrier.arrive $0xFFFF;
	s2 =	simm.s32 @!p0 $0x1C02  }
0x6d: {  	[timem:s3], [sflag:s2] =	dma.local @!p0 [hbm:s0], s1  }
0x6e: {  	s0 =	simm.s32 @!p0 $0x2  }
0x6f: {  	_ =	swait.ge @!p0 [sflag:s0], s1  }
0x70: {  	s1 =	ssub.s32 @!p0 $0x0, s1;
	[sflag:s0] =	ssyncset.done @!p0 $0x0  }
0x71: {  	[sflag:s0] =	ssyncadd.s32 @!p0 s1  }
0x72: {  	[bflag:$0x3] =	sbarrier.arrive $0xFFFF  }
0x73: {  	_ =	shalt  }

</sc_bundles>
